<compile_context>
chip_gen: v7x
topology: tpu7x:2x2x1
jax: 0.10.2.dev20260603
libtpu: 0.0.44.dev20260713+nightly
codegen_flags: <defaults>
</compile_context>

<pallas_src>
import functools
import jax
import jax.numpy as jnp
from jax import lax
from jax.experimental import pallas as pl
from jax.experimental.pallas import tpu as pltpu
from jax.experimental.pallas import tpu_sc as plsc

_B, _S, _D = 4, 8192, 1024
_CH = 16
_CHF = _CH * _D
_NW = 32
_ROWS_PER_W = _S // _NW
_NCHUNK = _ROWS_PER_W // _CH
_NBUF = 4


def _sc_add(x, pos):
    mesh = plsc.VectorSubcoreMesh(core_axis_name="c", subcore_axis_name="s")

    @functools.partial(
        pl.kernel,
        mesh=mesh,
        out_type=jax.ShapeDtypeStruct((_B, _S, _D), jnp.float32),
        compiler_params=pltpu.CompilerParams(use_tc_tiling_on_sc=True),
        scratch_types=[
            pltpu.VMEM((_NBUF, _CH, _D), jnp.float32),
            pltpu.VMEM((2, _CH, _D), jnp.float32),
            pltpu.SemaphoreType.DMA((_NBUF,)),
            pltpu.SemaphoreType.DMA((_NBUF,)),
            pltpu.SemaphoreType.DMA((2,)),
        ],
    )
    def body(x_hbm, pos_hbm, out_hbm, xb, pb, sxin, sout, spos):
        wid = lax.axis_index("s") * 2 + lax.axis_index("c")
        row0 = wid * _ROWS_PER_W

        def x_in(c, b, p):
            src = x_hbm.at[b, pl.ds(row0 + c * _CH, _CH)]
            return pltpu.make_async_copy(src, xb.at[p], sxin.at[p])

        def x_out(c, b, p):
            dst = out_hbm.at[b, pl.ds(row0 + c * _CH, _CH)]
            return pltpu.make_async_copy(xb.at[p], dst, sout.at[p])

        def pos_in(c, q):
            src = pos_hbm.at[pl.ds(row0 + c * _CH, _CH)]
            return pltpu.make_async_copy(src, pb.at[q], spos.at[q])

        pos_in(0, 0).start()
        x_in(0, 0, 0).start()
        x_in(0, 1, 1).start()

        def chunk(k, carry):
            q = lax.bitwise_and(k, 1)
            for j in range(_B):
                if j < 2:
                    @pl.when(k >= 1)
                    def _():
                        x_out(k - 1, j + 2, j + 2).wait()
                    x_in(k, j + 2, j + 2).start()
                else:
                    @pl.when(k + 1 < _NCHUNK)
                    def _():
                        x_out(k, j - 2, j - 2).wait()
                        x_in(k + 1, j - 2, j - 2).start()

                if j == 0:
                    @pl.when(k + 1 < _NCHUNK)
                    def _():
                        pos_in(k + 1, 1 - q).start()
                    pos_in(k, q).wait()

                x_in(k, j, j).wait()

                @plsc.parallel_loop(0, _CHF, step=16, unroll=8)
                def _(i):
                    r = lax.shift_right_logical(i, 10)
                    col = pl.multiple_of(lax.bitwise_and(i, _D - 1), 16)
                    sl = pl.ds(col, 16)
                    plsc.addupdate(xb.at[j, r, sl], pb[q, r, sl])

                x_out(k, j, j).start()
            return carry

        lax.fori_loop(0, _NCHUNK, chunk, 0)

        for j in range(_B):
            x_out(_NCHUNK - 1, j, j).wait()

    return body(x, pos)


def kernel(x, position_embeddings):
    return _sc_add(x, position_embeddings[: x.shape[1]])

# --- scband reference (transcript-rebuilt; emitter-appended) ---
"""Pipeline reference for scband-learned-position-encoding-7404523618741 (READ-ONLY COPY).

The authoritative reference and input builder live on the scoring server;
editing this copy changes nothing except your own understanding.
"""

import jax, jax.numpy as jnp
import numpy as np

MAX_SEQ_LEN = 8192
EMBED_DIM = 1024

def setup_inputs(seed: int = 0) -> dict:
    key = jax.random.key(seed)
    k1, k2 = jax.random.split(key)
    x = jax.random.normal(k1, (4, 8192, 1024), dtype=jnp.float32)
    # nn.init.uniform_(pos, -0.1, 0.1)
    position_embeddings = jax.random.uniform(k2, (MAX_SEQ_LEN, EMBED_DIM), dtype=jnp.float32, minval=-0.1, maxval=0.1)
    return {"x": x, "position_embeddings": position_embeddings}

def reference(x, position_embeddings):
    seq_len = x.shape[1]
    pos = position_embeddings[:seq_len, :]
    pos = pos[None, :, :]
    return x + pos

if __name__ == "__main__":
    import jax
    _d = setup_inputs()
    print(jax.jit(kernel)(*tuple(_d.values())))

</pallas_src>

<mosaic_0001>
#map = affine_map<(d0, d1) -> (0, 0, 0)>
#map1 = affine_map<(d0, d1) -> (0, 0)>
module attributes {stable_mosaic.version = 14 : i64} {
  func.func @body(%arg0: i32, %arg1: i32, %arg2: memref<4x8192x1024xf32, #tpu.memory_space<hbm>>, %arg3: memref<8192x1024xf32, #tpu.memory_space<hbm>>, %arg4: memref<4x8192x1024xf32, #tpu.memory_space<hbm>>, %arg5: memref<4x16x1024xf32, #tpu.memory_space<vmem>>, %arg6: memref<2x16x1024xf32, #tpu.memory_space<vmem>>, %arg7: memref<4x!tpu.dma_semaphore, #tpu.memory_space<semaphore_mem>>, %arg8: memref<4x!tpu.dma_semaphore, #tpu.memory_space<semaphore_mem>>, %arg9: memref<2x!tpu.dma_semaphore, #tpu.memory_space<semaphore_mem>>) attributes {dimension_semantics = [#tpu.dimension_semantics<core_parallel>, #tpu.dimension_semantics<subcore_parallel>], iteration_bounds = array<i64: 2, 16>, scalar_prefetch = 0 : i64, scratch_operands = 5 : i64, tpu.core_type = #tpu.core_type<sc_vector_subcore>, window_params = [{transform_indices = #map}, {transform_indices = #map1}, {transform_indices = #map}]} {
    %mul3A = arith.constant 2 : i32
    %mul3A_0 = arith.muli %arg1, %mul3A : i32
    %add3A = arith.addi %mul3A_0, %arg0 : i32
    %mul3A_1 = arith.constant 256 : i32
    %mul3A_2 = arith.muli %add3A, %mul3A_1 : i32
    %add3A_3 = arith.constant 0 : i32
    %add3A_4 = arith.addi %mul3A_2, %add3A_3 : i32
    %dma_start3A = arith.constant 0 : i32
    %dma_start3A_5 = arith.constant 0 : i32
    %dma_start3A_6 = arith.constant 0 : i32
    %dma_start3A_7 = arith.constant 0 : i32
    %dma_start3A_8 = tpu.memref_slice %arg6[%dma_start3A, %dma_start3A_6, %dma_start3A_7] : memref<2x16x1024xf32, #tpu.memory_space<vmem>> -> memref<1x16x1024xf32, #tpu.memory_space<vmem>>
    %dma_start3A_9 = tpu.memref_squeeze %dma_start3A_8 : memref<1x16x1024xf32, #tpu.memory_space<vmem>> -> memref<16x1024xf32, #tpu.memory_space<vmem>>
    %dma_start3A_10 = arith.constant 0 : i32
    %dma_start3A_11 = tpu.memref_slice %arg3[%add3A_4, %dma_start3A_10] : memref<8192x1024xf32, #tpu.memory_space<hbm>> -> memref<16x1024xf32, #tpu.memory_space<hbm>>
    %dma_start3A_12 = tpu.memref_slice %arg9[%dma_start3A_5] : memref<2x!tpu.dma_semaphore, #tpu.memory_space<semaphore_mem>> -> memref<1x!tpu.dma_semaphore, #tpu.memory_space<semaphore_mem>>
    %dma_start3A_13 = tpu.memref_squeeze %dma_start3A_12 : memref<1x!tpu.dma_semaphore, #tpu.memory_space<semaphore_mem>> -> memref<!tpu.dma_semaphore, #tpu.memory_space<semaphore_mem>>
    %dma_start3A_14 = arith.constant 0 : i32
    %dma_start3A_15 = arith.constant 0 : i32
    %dma_start3A_16 = tpu.memref_slice %arg6[%dma_start3A, %dma_start3A_14, %dma_start3A_15] : memref<2x16x1024xf32, #tpu.memory_space<vmem>> -> memref<1x16x1024xf32, #tpu.memory_space<vmem>>
    %dma_start3A_17 = tpu.memref_squeeze %dma_start3A_16 : memref<1x16x1024xf32, #tpu.memory_space<vmem>> -> memref<16x1024xf32, #tpu.memory_space<vmem>>
    %dma_start3A_18 = arith.constant 0 : i32
    %dma_start3A_19 = tpu.memref_slice %arg3[%add3A_4, %dma_start3A_18] : memref<8192x1024xf32, #tpu.memory_space<hbm>> -> memref<16x1024xf32, #tpu.memory_space<hbm>>
    tpu.enqueue_dma source(%dma_start3A_19 : memref<16x1024xf32, #tpu.memory_space<hbm>>) target(%dma_start3A_17 : memref<16x1024xf32, #tpu.memory_space<vmem>>) target_semaphore(%dma_start3A_13 : memref<!tpu.dma_semaphore, #tpu.memory_space<semaphore_mem>>)
    %add3A_20 = arith.constant 0 : i32
    %add3A_21 = arith.addi %mul3A_2, %add3A_20 : i32
    %dma_start3A_22 = arith.constant 0 : i32
    %dma_start3A_23 = arith.constant 0 : i32
    %dma_start3A_24 = arith.constant 0 : i32
    %dma_start3A_25 = arith.constant 0 : i32
    %dma_start3A_26 = arith.constant 0 : i32
    %dma_start3A_27 = tpu.memref_slice %arg5[%dma_start3A_23, %dma_start3A_25, %dma_start3A_26] : memref<4x16x1024xf32, #tpu.memory_space<vmem>> -> memref<1x16x1024xf32, #tpu.memory_space<vmem>>
    %dma_start3A_28 = tpu.memref_squeeze %dma_start3A_27 : memref<1x16x1024xf32, #tpu.memory_space<vmem>> -> memref<16x1024xf32, #tpu.memory_space<vmem>>
    %dma_start3A_29 = arith.constant 0 : i32
    %dma_start3A_30 = tpu.memref_slice %arg2[%dma_start3A_22, %add3A_21, %dma_start3A_29] : memref<4x8192x1024xf32, #tpu.memory_space<hbm>> -> memref<1x16x1024xf32, #tpu.memory_space<hbm>>
    %dma_start3A_31 = tpu.memref_squeeze %dma_start3A_30 : memref<1x16x1024xf32, #tpu.memory_space<hbm>> -> memref<16x1024xf32, #tpu.memory_space<hbm>>
    %dma_start3A_32 = tpu.memref_slice %arg7[%dma_start3A_24] : memref<4x!tpu.dma_semaphore, #tpu.memory_space<semaphore_mem>> -> memref<1x!tpu.dma_semaphore, #tpu.memory_space<semaphore_mem>>
    %dma_start3A_33 = tpu.memref_squeeze %dma_start3A_32 : memref<1x!tpu.dma_semaphore, #tpu.memory_space<semaphore_mem>> -> memref<!tpu.dma_semaphore, #tpu.memory_space<semaphore_mem>>
    %dma_start3A_34 = arith.constant 0 : i32
    %dma_start3A_35 = arith.constant 0 : i32
    %dma_start3A_36 = tpu.memref_slice %arg5[%dma_start3A_23, %dma_start3A_34, %dma_start3A_35] : memref<4x16x1024xf32, #tpu.memory_space<vmem>> -> memref<1x16x1024xf32, #tpu.memory_space<vmem>>
    %dma_start3A_37 = tpu.memref_squeeze %dma_start3A_36 : memref<1x16x1024xf32, #tpu.memory_space<vmem>> -> memref<16x1024xf32, #tpu.memory_space<vmem>>
    %dma_start3A_38 = arith.constant 0 : i32
    %dma_start3A_39 = tpu.memref_slice %arg2[%dma_start3A_22, %add3A_21, %dma_start3A_38] : memref<4x8192x1024xf32, #tpu.memory_space<hbm>> -> memref<1x16x1024xf32, #tpu.memory_space<hbm>>
    %dma_start3A_40 = tpu.memref_squeeze %dma_start3A_39 : memref<1x16x1024xf32, #tpu.memory_space<hbm>> -> memref<16x1024xf32, #tpu.memory_space<hbm>>
    tpu.enqueue_dma source(%dma_start3A_40 : memref<16x1024xf32, #tpu.memory_space<hbm>>) target(%dma_start3A_37 : memref<16x1024xf32, #tpu.memory_space<vmem>>) target_semaphore(%dma_start3A_33 : memref<!tpu.dma_semaphore, #tpu.memory_space<semaphore_mem>>)
    %add3A_41 = arith.constant 0 : i32
    %add3A_42 = arith.addi %mul3A_2, %add3A_41 : i32
    %dma_start3A_43 = arith.constant 1 : i32
    %dma_start3A_44 = arith.constant 1 : i32
    %dma_start3A_45 = arith.constant 1 : i32
    %dma_start3A_46 = arith.constant 0 : i32
    %dma_start3A_47 = arith.constant 0 : i32
    %dma_start3A_48 = tpu.memref_slice %arg5[%dma_start3A_44, %dma_start3A_46, %dma_start3A_47] : memref<4x16x1024xf32, #tpu.memory_space<vmem>> -> memref<1x16x1024xf32, #tpu.memory_space<vmem>>
    %dma_start3A_49 = tpu.memref_squeeze %dma_start3A_48 : memref<1x16x1024xf32, #tpu.memory_space<vmem>> -> memref<16x1024xf32, #tpu.memory_space<vmem>>
    %dma_start3A_50 = arith.constant 0 : i32
    %dma_start3A_51 = tpu.memref_slice %arg2[%dma_start3A_43, %add3A_42, %dma_start3A_50] : memref<4x8192x1024xf32, #tpu.memory_space<hbm>> -> memref<1x16x1024xf32, #tpu.memory_space<hbm>>
    %dma_start3A_52 = tpu.memref_squeeze %dma_start3A_51 : memref<1x16x1024xf32, #tpu.memory_space<hbm>> -> memref<16x1024xf32, #tpu.memory_space<hbm>>
    %dma_start3A_53 = tpu.memref_slice %arg7[%dma_start3A_45] : memref<4x!tpu.dma_semaphore, #tpu.memory_space<semaphore_mem>> -> memref<1x!tpu.dma_semaphore, #tpu.memory_space<semaphore_mem>>
    %dma_start3A_54 = tpu.memref_squeeze %dma_start3A_53 : memref<1x!tpu.dma_semaphore, #tpu.memory_space<semaphore_mem>> -> memref<!tpu.dma_semaphore, #tpu.memory_space<semaphore_mem>>
    %dma_start3A_55 = arith.constant 0 : i32
    %dma_start3A_56 = arith.constant 0 : i32
    %dma_start3A_57 = tpu.memref_slice %arg5[%dma_start3A_44, %dma_start3A_55, %dma_start3A_56] : memref<4x16x1024xf32, #tpu.memory_space<vmem>> -> memref<1x16x1024xf32, #tpu.memory_space<vmem>>
    %dma_start3A_58 = tpu.memref_squeeze %dma_start3A_57 : memref<1x16x1024xf32, #tpu.memory_space<vmem>> -> memref<16x1024xf32, #tpu.memory_space<vmem>>
    %dma_start3A_59 = arith.constant 0 : i32
    %dma_start3A_60 = tpu.memref_slice %arg2[%dma_start3A_43, %add3A_42, %dma_start3A_59] : memref<4x8192x1024xf32, #tpu.memory_space<hbm>> -> memref<1x16x1024xf32, #tpu.memory_space<hbm>>
    %dma_start3A_61 = tpu.memref_squeeze %dma_start3A_60 : memref<1x16x1024xf32, #tpu.memory_space<hbm>> -> memref<16x1024xf32, #tpu.memory_space<hbm>>
    tpu.enqueue_dma source(%dma_start3A_61 : memref<16x1024xf32, #tpu.memory_space<hbm>>) target(%dma_start3A_58 : memref<16x1024xf32, #tpu.memory_space<vmem>>) target_semaphore(%dma_start3A_54 : memref<!tpu.dma_semaphore, #tpu.memory_space<semaphore_mem>>)
    %scan3A = arith.constant 0 : i32
    %scan3A_62 = arith.constant 0 : i32
    %scan3A_63 = arith.constant 16 : i32
    %scan3A_64 = arith.addi %scan3A_62, %scan3A_63 : i32
    %scan3A_65 = arith.constant 1 : i32
    scf.for %scan3A_150 = %scan3A_62 to %scan3A_64 step %scan3A_65  : i32 {
      %and3A = arith.constant 1 : i32
      %and3A_151 = arith.andi %scan3A_150, %and3A : i32
      %ge3A = arith.constant 1 : i32
      %ge3A_152 = arith.cmpi sge, %scan3A_150, %ge3A : i32
      %convert_element_type3A = arith.extui %ge3A_152 : i1 to i32
      %cond3A = arith.constant 0 : i32
      %cond3A_153 = arith.cmpi ne, %convert_element_type3A, %cond3A : i32
      scf.if %cond3A_153 {
        %sub3A = arith.constant 1 : i32
        %sub3A_427 = arith.subi %scan3A_150, %sub3A : i32
        %mul3A_428 = arith.constant 16 : i32
        %mul3A_429 = arith.muli %sub3A_427, %mul3A_428 : i32
        %add3A_430 = arith.addi %mul3A_2, %mul3A_429 : i32
        %dma_wait3A_431 = arith.constant 2 : i32
        %dma_wait3A_432 = arith.constant 2 : i32
        %dma_wait3A_433 = arith.constant 2 : i32
        %dma_wait3A_434 = arith.constant 0 : i32
        %dma_wait3A_435 = arith.constant 0 : i32
        %dma_wait3A_436 = tpu.memref_slice %arg5[%dma_wait3A_431, %dma_wait3A_434, %dma_wait3A_435] : memref<4x16x1024xf32, #tpu.memory_space<vmem>> -> memref<1x16x1024xf32, #tpu.memory_space<vmem>>
        %dma_wait3A_437 = tpu.memref_squeeze %dma_wait3A_436 : memref<1x16x1024xf32, #tpu.memory_space<vmem>> -> memref<16x1024xf32, #tpu.memory_space<vmem>>
        %dma_wait3A_438 = arith.constant 0 : i32
        %dma_wait3A_439 = tpu.memref_slice %arg4[%dma_wait3A_432, %add3A_430, %dma_wait3A_438] : memref<4x8192x1024xf32, #tpu.memory_space<hbm>> -> memref<1x16x1024xf32, #tpu.memory_space<hbm>>
        %dma_wait3A_440 = tpu.memref_squeeze %dma_wait3A_439 : memref<1x16x1024xf32, #tpu.memory_space<hbm>> -> memref<16x1024xf32, #tpu.memory_space<hbm>>
        %dma_wait3A_441 = tpu.memref_slice %arg8[%dma_wait3A_433] : memref<4x!tpu.dma_semaphore, #tpu.memory_space<semaphore_mem>> -> memref<1x!tpu.dma_semaphore, #tpu.memory_space<semaphore_mem>>
        %dma_wait3A_442 = tpu.memref_squeeze %dma_wait3A_441 : memref<1x!tpu.dma_semaphore, #tpu.memory_space<semaphore_mem>> -> memref<!tpu.dma_semaphore, #tpu.memory_space<semaphore_mem>>
        %dma_wait3A_443 = arith.constant 0 : i32
        %dma_wait3A_444 = tpu.memref_slice %arg4[%dma_wait3A_432, %add3A_430, %dma_wait3A_443] : memref<4x8192x1024xf32, #tpu.memory_space<hbm>> -> memref<1x16x1024xf32, #tpu.memory_space<hbm>>
        %dma_wait3A_445 = tpu.memref_squeeze %dma_wait3A_444 : memref<1x16x1024xf32, #tpu.memory_space<hbm>> -> memref<16x1024xf32, #tpu.memory_space<hbm>>
        %dma_wait3A_446 = arith.constant 0 : i32
        %dma_wait3A_447 = arith.constant 0 : i32
        %dma_wait3A_448 = tpu.memref_slice %arg5[%dma_wait3A_431, %dma_wait3A_446, %dma_wait3A_447] : memref<4x16x1024xf32, #tpu.memory_space<vmem>> -> memref<1x16x1024xf32, #tpu.memory_space<vmem>>
        %dma_wait3A_449 = tpu.memref_squeeze %dma_wait3A_448 : memref<1x16x1024xf32, #tpu.memory_space<vmem>> -> memref<16x1024xf32, #tpu.memory_space<vmem>>
        tpu.wait_dma2 semaphore(%dma_wait3A_442 : memref<!tpu.dma_semaphore, #tpu.memory_space<semaphore_mem>>) src(%dma_wait3A_449 : memref<16x1024xf32, #tpu.memory_space<vmem>>) dst(%dma_wait3A_445 : memref<16x1024xf32, #tpu.memory_space<hbm>>)
      } else {
      }
      %mul3A_154 = arith.constant 16 : i32
      %mul3A_155 = arith.muli %scan3A_150, %mul3A_154 : i32
      %add3A_156 = arith.addi %mul3A_2, %mul3A_155 : i32
      %dma_start3A_157 = arith.constant 2 : i32
      %dma_start3A_158 = arith.constant 2 : i32
      %dma_start3A_159 = arith.constant 2 : i32
      %dma_start3A_160 = arith.constant 0 : i32
      %dma_start3A_161 = arith.constant 0 : i32
      %dma_start3A_162 = tpu.memref_slice %arg5[%dma_start3A_158, %dma_start3A_160, %dma_start3A_161] : memref<4x16x1024xf32, #tpu.memory_space<vmem>> -> memref<1x16x1024xf32, #tpu.memory_space<vmem>>
      %dma_start3A_163 = tpu.memref_squeeze %dma_start3A_162 : memref<1x16x1024xf32, #tpu.memory_space<vmem>> -> memref<16x1024xf32, #tpu.memory_space<vmem>>
      %dma_start3A_164 = arith.constant 0 : i32
      %dma_start3A_165 = tpu.memref_slice %arg2[%dma_start3A_157, %add3A_156, %dma_start3A_164] : memref<4x8192x1024xf32, #tpu.memory_space<hbm>> -> memref<1x16x1024xf32, #tpu.memory_space<hbm>>
      %dma_start3A_166 = tpu.memref_squeeze %dma_start3A_165 : memref<1x16x1024xf32, #tpu.memory_space<hbm>> -> memref<16x1024xf32, #tpu.memory_space<hbm>>
      %dma_start3A_167 = tpu.memref_slice %arg7[%dma_start3A_159] : memref<4x!tpu.dma_semaphore, #tpu.memory_space<semaphore_mem>> -> memref<1x!tpu.dma_semaphore, #tpu.memory_space<semaphore_mem>>
      %dma_start3A_168 = tpu.memref_squeeze %dma_start3A_167 : memref<1x!tpu.dma_semaphore, #tpu.memory_space<semaphore_mem>> -> memref<!tpu.dma_semaphore, #tpu.memory_space<semaphore_mem>>
      %dma_start3A_169 = arith.constant 0 : i32
      %dma_start3A_170 = arith.constant 0 : i32
      %dma_start3A_171 = tpu.memref_slice %arg5[%dma_start3A_158, %dma_start3A_169, %dma_start3A_170] : memref<4x16x1024xf32, #tpu.memory_space<vmem>> -> memref<1x16x1024xf32, #tpu.memory_space<vmem>>
      %dma_start3A_172 = tpu.memref_squeeze %dma_start3A_171 : memref<1x16x1024xf32, #tpu.memory_space<vmem>> -> memref<16x1024xf32, #tpu.memory_space<vmem>>
      %dma_start3A_173 = arith.constant 0 : i32
      %dma_start3A_174 = tpu.memref_slice %arg2[%dma_start3A_157, %add3A_156, %dma_start3A_173] : memref<4x8192x1024xf32, #tpu.memory_space<hbm>> -> memref<1x16x1024xf32, #tpu.memory_space<hbm>>
      %dma_start3A_175 = tpu.memref_squeeze %dma_start3A_174 : memref<1x16x1024xf32, #tpu.memory_space<hbm>> -> memref<16x1024xf32, #tpu.memory_space<hbm>>
      tpu.enqueue_dma source(%dma_start3A_175 : memref<16x1024xf32, #tpu.memory_space<hbm>>) target(%dma_start3A_172 : memref<16x1024xf32, #tpu.memory_space<vmem>>) target_semaphore(%dma_start3A_168 : memref<!tpu.dma_semaphore, #tpu.memory_space<semaphore_mem>>)
      %add3A_176 = arith.constant 1 : i32
      %add3A_177 = arith.addi %scan3A_150, %add3A_176 : i32
      %lt3A = arith.constant 16 : i32
      %lt3A_178 = arith.cmpi slt, %add3A_177, %lt3A : i32
      %convert_element_type3A_179 = arith.extui %lt3A_178 : i1 to i32
      %cond3A_180 = arith.constant 0 : i32
      %cond3A_181 = arith.cmpi ne, %convert_element_type3A_179, %cond3A_180 : i32
      scf.if %cond3A_181 {
        %add3A_427 = arith.constant 1 : i32
        %add3A_428 = arith.addi %scan3A_150, %add3A_427 : i32
        %sub3A = arith.constant 1 : i32
        %sub3A_429 = arith.subi %sub3A, %and3A_151 : i32
        %mul3A_430 = arith.constant 16 : i32
        %mul3A_431 = arith.muli %add3A_428, %mul3A_430 : i32
        %add3A_432 = arith.addi %mul3A_2, %mul3A_431 : i32
        %dma_start3A_433 = arith.constant 0 : i32
        %dma_start3A_434 = arith.constant 0 : i32
        %dma_start3A_435 = tpu.memref_slice %arg6[%sub3A_429, %dma_start3A_433, %dma_start3A_434] : memref<2x16x1024xf32, #tpu.memory_space<vmem>> -> memref<1x16x1024xf32, #tpu.memory_space<vmem>>
        %dma_start3A_436 = tpu.memref_squeeze %dma_start3A_435 : memref<1x16x1024xf32, #tpu.memory_space<vmem>> -> memref<16x1024xf32, #tpu.memory_space<vmem>>
        %dma_start3A_437 = arith.constant 0 : i32
        %dma_start3A_438 = tpu.memref_slice %arg3[%add3A_432, %dma_start3A_437] : memref<8192x1024xf32, #tpu.memory_space<hbm>> -> memref<16x1024xf32, #tpu.memory_space<hbm>>
        %dma_start3A_439 = tpu.memref_slice %arg9[%sub3A_429] : memref<2x!tpu.dma_semaphore, #tpu.memory_space<semaphore_mem>> -> memref<1x!tpu.dma_semaphore, #tpu.memory_space<semaphore_mem>>
        %dma_start3A_440 = tpu.memref_squeeze %dma_start3A_439 : memref<1x!tpu.dma_semaphore, #tpu.memory_space<semaphore_mem>> -> memref<!tpu.dma_semaphore, #tpu.memory_space<semaphore_mem>>
        %dma_start3A_441 = arith.constant 0 : i32
        %dma_start3A_442 = arith.constant 0 : i32
        %dma_start3A_443 = tpu.memref_slice %arg6[%sub3A_429, %dma_start3A_441, %dma_start3A_442] : memref<2x16x1024xf32, #tpu.memory_space<vmem>> -> memref<1x16x1024xf32, #tpu.memory_space<vmem>>
        %dma_start3A_444 = tpu.memref_squeeze %dma_start3A_443 : memref<1x16x1024xf32, #tpu.memory_space<vmem>> -> memref<16x1024xf32, #tpu.memory_space<vmem>>
        %dma_start3A_445 = arith.constant 0 : i32
        %dma_start3A_446 = tpu.memref_slice %arg3[%add3A_432, %dma_start3A_445] : memref<8192x1024xf32, #tpu.memory_space<hbm>> -> memref<16x1024xf32, #tpu.memory_space<hbm>>
        tpu.enqueue_dma source(%dma_start3A_446 : memref<16x1024xf32, #tpu.memory_space<hbm>>) target(%dma_start3A_444 : memref<16x1024xf32, #tpu.memory_space<vmem>>) target_semaphore(%dma_start3A_440 : memref<!tpu.dma_semaphore, #tpu.memory_space<semaphore_mem>>)
      } else {
      }
      %mul3A_182 = arith.constant 16 : i32
      %mul3A_183 = arith.muli %scan3A_150, %mul3A_182 : i32
      %add3A_184 = arith.addi %mul3A_2, %mul3A_183 : i32
      %dma_wait3A_185 = arith.constant 0 : i32
      %dma_wait3A_186 = arith.constant 0 : i32
      %dma_wait3A_187 = tpu.memref_slice %arg6[%and3A_151, %dma_wait3A_185, %dma_wait3A_186] : memref<2x16x1024xf32, #tpu.memory_space<vmem>> -> memref<1x16x1024xf32, #tpu.memory_space<vmem>>
      %dma_wait3A_188 = tpu.memref_squeeze %dma_wait3A_187 : memref<1x16x1024xf32, #tpu.memory_space<vmem>> -> memref<16x1024xf32, #tpu.memory_space<vmem>>
      %dma_wait3A_189 = arith.constant 0 : i32
      %dma_wait3A_190 = tpu.memref_slice %arg3[%add3A_184, %dma_wait3A_189] : memref<8192x1024xf32, #tpu.memory_space<hbm>> -> memref<16x1024xf32, #tpu.memory_space<hbm>>
      %dma_wait3A_191 = tpu.memref_slice %arg9[%and3A_151] : memref<2x!tpu.dma_semaphore, #tpu.memory_space<semaphore_mem>> -> memref<1x!tpu.dma_semaphore, #tpu.memory_space<semaphore_mem>>
      %dma_wait3A_192 = tpu.memref_squeeze %dma_wait3A_191 : memref<1x!tpu.dma_semaphore, #tpu.memory_space<semaphore_mem>> -> memref<!tpu.dma_semaphore, #tpu.memory_space<semaphore_mem>>
      %dma_wait3A_193 = arith.constant 0 : i32
      %dma_wait3A_194 = arith.constant 0 : i32
      %dma_wait3A_195 = tpu.memref_slice %arg6[%and3A_151, %dma_wait3A_193, %dma_wait3A_194] : memref<2x16x1024xf32, #tpu.memory_space<vmem>> -> memref<1x16x1024xf32, #tpu.memory_space<vmem>>
      %dma_wait3A_196 = tpu.memref_squeeze %dma_wait3A_195 : memref<1x16x1024xf32, #tpu.memory_space<vmem>> -> memref<16x1024xf32, #tpu.memory_space<vmem>>
      %dma_wait3A_197 = arith.constant 0 : i32
      %dma_wait3A_198 = tpu.memref_slice %arg3[%add3A_184, %dma_wait3A_197] : memref<8192x1024xf32, #tpu.memory_space<hbm>> -> memref<16x1024xf32, #tpu.memory_space<hbm>>
      tpu.wait_dma2 semaphore(%dma_wait3A_192 : memref<!tpu.dma_semaphore, #tpu.memory_space<semaphore_mem>>) src(%dma_wait3A_198 : memref<16x1024xf32, #tpu.memory_space<hbm>>) dst(%dma_wait3A_196 : memref<16x1024xf32, #tpu.memory_space<vmem>>)
      %mul3A_199 = arith.constant 16 : i32
      %mul3A_200 = arith.muli %scan3A_150, %mul3A_199 : i32
      %add3A_201 = arith.addi %mul3A_2, %mul3A_200 : i32
      %dma_wait3A_202 = arith.constant 0 : i32
      %dma_wait3A_203 = arith.constant 0 : i32
      %dma_wait3A_204 = arith.constant 0 : i32
      %dma_wait3A_205 = arith.constant 0 : i32
      %dma_wait3A_206 = arith.constant 0 : i32
      %dma_wait3A_207 = tpu.memref_slice %arg5[%dma_wait3A_203, %dma_wait3A_205, %dma_wait3A_206] : memref<4x16x1024xf32, #tpu.memory_space<vmem>> -> memref<1x16x1024xf32, #tpu.memory_space<vmem>>
      %dma_wait3A_208 = tpu.memref_squeeze %dma_wait3A_207 : memref<1x16x1024xf32, #tpu.memory_space<vmem>> -> memref<16x1024xf32, #tpu.memory_space<vmem>>
      %dma_wait3A_209 = arith.constant 0 : i32
      %dma_wait3A_210 = tpu.memref_slice %arg2[%dma_wait3A_202, %add3A_201, %dma_wait3A_209] : memref<4x8192x1024xf32, #tpu.memory_space<hbm>> -> memref<1x16x1024xf32, #tpu.memory_space<hbm>>
      %dma_wait3A_211 = tpu.memref_squeeze %dma_wait3A_210 : memref<1x16x1024xf32, #tpu.memory_space<hbm>> -> memref<16x1024xf32, #tpu.memory_space<hbm>>
      %dma_wait3A_212 = tpu.memref_slice %arg7[%dma_wait3A_204] : memref<4x!tpu.dma_semaphore, #tpu.memory_space<semaphore_mem>> -> memref<1x!tpu.dma_semaphore, #tpu.memory_space<semaphore_mem>>
      %dma_wait3A_213 = tpu.memref_squeeze %dma_wait3A_212 : memref<1x!tpu.dma_semaphore, #tpu.memory_space<semaphore_mem>> -> memref<!tpu.dma_semaphore, #tpu.memory_space<semaphore_mem>>
      %dma_wait3A_214 = arith.constant 0 : i32
      %dma_wait3A_215 = arith.constant 0 : i32
      %dma_wait3A_216 = tpu.memref_slice %arg5[%dma_wait3A_203, %dma_wait3A_214, %dma_wait3A_215] : memref<4x16x1024xf32, #tpu.memory_space<vmem>> -> memref<1x16x1024xf32, #tpu.memory_space<vmem>>
      %dma_wait3A_217 = tpu.memref_squeeze %dma_wait3A_216 : memref<1x16x1024xf32, #tpu.memory_space<vmem>> -> memref<16x1024xf32, #tpu.memory_space<vmem>>
      %dma_wait3A_218 = arith.constant 0 : i32
      %dma_wait3A_219 = tpu.memref_slice %arg2[%dma_wait3A_202, %add3A_201, %dma_wait3A_218] : memref<4x8192x1024xf32, #tpu.memory_space<hbm>> -> memref<1x16x1024xf32, #tpu.memory_space<hbm>>
      %dma_wait3A_220 = tpu.memref_squeeze %dma_wait3A_219 : memref<1x16x1024xf32, #tpu.memory_space<hbm>> -> memref<16x1024xf32, #tpu.memory_space<hbm>>
      tpu.wait_dma2 semaphore(%dma_wait3A_213 : memref<!tpu.dma_semaphore, #tpu.memory_space<semaphore_mem>>) src(%dma_wait3A_220 : memref<16x1024xf32, #tpu.memory_space<hbm>>) dst(%dma_wait3A_217 : memref<16x1024xf32, #tpu.memory_space<vmem>>)
      %parallel_loop3A = arith.constant 0 : i32
      %parallel_loop3A_221 = arith.constant 16384 : i32
      %parallel_loop3A_222 = arith.constant 16 : i32
      scf.for %parallel_loop3A_427 = %parallel_loop3A to %parallel_loop3A_221 step %parallel_loop3A_222  : i32 {
        %parallel_loop3A_428 = arith.constant 10 : i32
        %parallel_loop3A_429 = arith.shrui %parallel_loop3A_427, %parallel_loop3A_428 : i32
        %parallel_loop3A_430 = arith.constant 1023 : i32
        %parallel_loop3A_431 = arith.andi %parallel_loop3A_427, %parallel_loop3A_430 : i32
        %parallel_loop3A_432 = tpu.assume_multiple %parallel_loop3A_431, 16 : i32
        %parallel_loop3A_433 = arith.index_cast %and3A_151 : i32 to index
        %parallel_loop3A_434 = arith.index_cast %parallel_loop3A_429 : i32 to index
        %parallel_loop3A_435 = arith.index_cast %parallel_loop3A_432 : i32 to index
        %parallel_loop3A_436 = tpu.vector_load %arg6[%parallel_loop3A_433, %parallel_loop3A_434, %parallel_loop3A_435] {strides = array<i32>} : memref<2x16x1024xf32, #tpu.memory_space<vmem>>, vector<1x1x16xf32>,
        %parallel_loop3A_437 = vector.shape_cast %parallel_loop3A_436 : vector<1x1x16xf32> to vector<16xf32>
        %parallel_loop3A_438 = arith.constant 0 : i32
        %parallel_loop3A_439 = arith.index_cast %parallel_loop3A_438 : i32 to index
        %parallel_loop3A_440 = arith.index_cast %parallel_loop3A_429 : i32 to index
        %parallel_loop3A_441 = arith.index_cast %parallel_loop3A_432 : i32 to index
        %parallel_loop3A_442 = tpu.vector_load %arg5[%parallel_loop3A_439, %parallel_loop3A_440, %parallel_loop3A_441] {strides = array<i32>} : memref<4x16x1024xf32, #tpu.memory_space<vmem>>, vector<1x1x16xf32>,
        %parallel_loop3A_443 = vector.shape_cast %parallel_loop3A_442 : vector<1x1x16xf32> to vector<16xf32>
        %parallel_loop3A_444 = vector.shape_cast %parallel_loop3A_437 : vector<16xf32> to vector<1x1x16xf32>
        tpu.vector_store %arg5[%parallel_loop3A_439, %parallel_loop3A_440, %parallel_loop3A_441], %parallel_loop3A_444 {add = true, strides = array<i32>} : memref<4x16x1024xf32, #tpu.memory_space<vmem>>, vector<1x1x16xf32>,
      } {sc.loop_unroll_factor = 8 : i64, sc.parallel_access}
      %mul3A_223 = arith.constant 16 : i32
      %mul3A_224 = arith.muli %scan3A_150, %mul3A_223 : i32
      %add3A_225 = arith.addi %mul3A_2, %mul3A_224 : i32
      %dma_start3A_226 = arith.constant 0 : i32
      %dma_start3A_227 = arith.constant 0 : i32
      %dma_start3A_228 = arith.constant 0 : i32
      %dma_start3A_229 = arith.constant 0 : i32
      %dma_start3A_230 = arith.constant 0 : i32
      %dma_start3A_231 = tpu.memref_slice %arg5[%dma_start3A_226, %dma_start3A_229, %dma_start3A_230] : memref<4x16x1024xf32, #tpu.memory_space<vmem>> -> memref<1x16x1024xf32, #tpu.memory_space<vmem>>
      %dma_start3A_232 = tpu.memref_squeeze %dma_start3A_231 : memref<1x16x1024xf32, #tpu.memory_space<vmem>> -> memref<16x1024xf32, #tpu.memory_space<vmem>>
      %dma_start3A_233 = arith.constant 0 : i32
      %dma_start3A_234 = tpu.memref_slice %arg4[%dma_start3A_227, %add3A_225, %dma_start3A_233] : memref<4x8192x1024xf32, #tpu.memory_space<hbm>> -> memref<1x16x1024xf32, #tpu.memory_space<hbm>>
      %dma_start3A_235 = tpu.memref_squeeze %dma_start3A_234 : memref<1x16x1024xf32, #tpu.memory_space<hbm>> -> memref<16x1024xf32, #tpu.memory_space<hbm>>
      %dma_start3A_236 = tpu.memref_slice %arg8[%dma_start3A_228] : memref<4x!tpu.dma_semaphore, #tpu.memory_space<semaphore_mem>> -> memref<1x!tpu.dma_semaphore, #tpu.memory_space<semaphore_mem>>
      %dma_start3A_237 = tpu.memref_squeeze %dma_start3A_236 : memref<1x!tpu.dma_semaphore, #tpu.memory_space<semaphore_mem>> -> memref<!tpu.dma_semaphore, #tpu.memory_space<semaphore_mem>>
      %dma_start3A_238 = arith.constant 0 : i32
      %dma_start3A_239 = tpu.memref_slice %arg4[%dma_start3A_227, %add3A_225, %dma_start3A_238] : memref<4x8192x1024xf32, #tpu.memory_space<hbm>> -> memref<1x16x1024xf32, #tpu.memory_space<hbm>>
      %dma_start3A_240 = tpu.memref_squeeze %dma_start3A_239 : memref<1x16x1024xf32, #tpu.memory_space<hbm>> -> memref<16x1024xf32, #tpu.memory_space<hbm>>
      %dma_start3A_241 = arith.constant 0 : i32
      %dma_start3A_242 = arith.constant 0 : i32
      %dma_start3A_243 = tpu.memref_slice %arg5[%dma_start3A_226, %dma_start3A_241, %dma_start3A_242] : memref<4x16x1024xf32, #tpu.memory_space<vmem>> -> memref<1x16x1024xf32, #tpu.memory_space<vmem>>
      %dma_start3A_244 = tpu.memref_squeeze %dma_start3A_243 : memref<1x16x1024xf32, #tpu.memory_space<vmem>> -> memref<16x1024xf32, #tpu.memory_space<vmem>>
      tpu.enqueue_dma source(%dma_start3A_244 : memref<16x1024xf32, #tpu.memory_space<vmem>>) target(%dma_start3A_240 : memref<16x1024xf32, #tpu.memory_space<hbm>>) target_semaphore(%dma_start3A_237 : memref<!tpu.dma_semaphore, #tpu.memory_space<semaphore_mem>>)
      %ge3A_245 = arith.constant 1 : i32
      %ge3A_246 = arith.cmpi sge, %scan3A_150, %ge3A_245 : i32
      %convert_element_type3A_247 = arith.extui %ge3A_246 : i1 to i32
      %cond3A_248 = arith.constant 0 : i32
      %cond3A_249 = arith.cmpi ne, %convert_element_type3A_247, %cond3A_248 : i32
      scf.if %cond3A_249 {
        %sub3A = arith.constant 1 : i32
        %sub3A_427 = arith.subi %scan3A_150, %sub3A : i32
        %mul3A_428 = arith.constant 16 : i32
        %mul3A_429 = arith.muli %sub3A_427, %mul3A_428 : i32
        %add3A_430 = arith.addi %mul3A_2, %mul3A_429 : i32
        %dma_wait3A_431 = arith.constant 3 : i32
        %dma_wait3A_432 = arith.constant 3 : i32
        %dma_wait3A_433 = arith.constant 3 : i32
        %dma_wait3A_434 = arith.constant 0 : i32
        %dma_wait3A_435 = arith.constant 0 : i32
        %dma_wait3A_436 = tpu.memref_slice %arg5[%dma_wait3A_431, %dma_wait3A_434, %dma_wait3A_435] : memref<4x16x1024xf32, #tpu.memory_space<vmem>> -> memref<1x16x1024xf32, #tpu.memory_space<vmem>>
        %dma_wait3A_437 = tpu.memref_squeeze %dma_wait3A_436 : memref<1x16x1024xf32, #tpu.memory_space<vmem>> -> memref<16x1024xf32, #tpu.memory_space<vmem>>
        %dma_wait3A_438 = arith.constant 0 : i32
        %dma_wait3A_439 = tpu.memref_slice %arg4[%dma_wait3A_432, %add3A_430, %dma_wait3A_438] : memref<4x8192x1024xf32, #tpu.memory_space<hbm>> -> memref<1x16x1024xf32, #tpu.memory_space<hbm>>
        %dma_wait3A_440 = tpu.memref_squeeze %dma_wait3A_439 : memref<1x16x1024xf32, #tpu.memory_space<hbm>> -> memref<16x1024xf32, #tpu.memory_space<hbm>>
        %dma_wait3A_441 = tpu.memref_slice %arg8[%dma_wait3A_433] : memref<4x!tpu.dma_semaphore, #tpu.memory_space<semaphore_mem>> -> memref<1x!tpu.dma_semaphore, #tpu.memory_space<semaphore_mem>>
        %dma_wait3A_442 = tpu.memref_squeeze %dma_wait3A_441 : memref<1x!tpu.dma_semaphore, #tpu.memory_space<semaphore_mem>> -> memref<!tpu.dma_semaphore, #tpu.memory_space<semaphore_mem>>
        %dma_wait3A_443 = arith.constant 0 : i32
        %dma_wait3A_444 = tpu.memref_slice %arg4[%dma_wait3A_432, %add3A_430, %dma_wait3A_443] : memref<4x8192x1024xf32, #tpu.memory_space<hbm>> -> memref<1x16x1024xf32, #tpu.memory_space<hbm>>
        %dma_wait3A_445 = tpu.memref_squeeze %dma_wait3A_444 : memref<1x16x1024xf32, #tpu.memory_space<hbm>> -> memref<16x1024xf32, #tpu.memory_space<hbm>>
        %dma_wait3A_446 = arith.constant 0 : i32
        %dma_wait3A_447 = arith.constant 0 : i32
        %dma_wait3A_448 = tpu.memref_slice %arg5[%dma_wait3A_431, %dma_wait3A_446, %dma_wait3A_447] : memref<4x16x1024xf32, #tpu.memory_space<vmem>> -> memref<1x16x1024xf32, #tpu.memory_space<vmem>>
        %dma_wait3A_449 = tpu.memref_squeeze %dma_wait3A_448 : memref<1x16x1024xf32, #tpu.memory_space<vmem>> -> memref<16x1024xf32, #tpu.memory_space<vmem>>
        tpu.wait_dma2 semaphore(%dma_wait3A_442 : memref<!tpu.dma_semaphore, #tpu.memory_space<semaphore_mem>>) src(%dma_wait3A_449 : memref<16x1024xf32, #tpu.memory_space<vmem>>) dst(%dma_wait3A_445 : memref<16x1024xf32, #tpu.memory_space<hbm>>)
      } else {
      }
      %mul3A_250 = arith.constant 16 : i32
      %mul3A_251 = arith.muli %scan3A_150, %mul3A_250 : i32
      %add3A_252 = arith.addi %mul3A_2, %mul3A_251 : i32
      %dma_start3A_253 = arith.constant 3 : i32
      %dma_start3A_254 = arith.constant 3 : i32
      %dma_start3A_255 = arith.constant 3 : i32
      %dma_start3A_256 = arith.constant 0 : i32
      %dma_start3A_257 = arith.constant 0 : i32
      %dma_start3A_258 = tpu.memref_slice %arg5[%dma_start3A_254, %dma_start3A_256, %dma_start3A_257] : memref<4x16x1024xf32, #tpu.memory_space<vmem>> -> memref<1x16x1024xf32, #tpu.memory_space<vmem>>
      %dma_start3A_259 = tpu.memref_squeeze %dma_start3A_258 : memref<1x16x1024xf32, #tpu.memory_space<vmem>> -> memref<16x1024xf32, #tpu.memory_space<vmem>>
      %dma_start3A_260 = arith.constant 0 : i32
      %dma_start3A_261 = tpu.memref_slice %arg2[%dma_start3A_253, %add3A_252, %dma_start3A_260] : memref<4x8192x1024xf32, #tpu.memory_space<hbm>> -> memref<1x16x1024xf32, #tpu.memory_space<hbm>>
      %dma_start3A_262 = tpu.memref_squeeze %dma_start3A_261 : memref<1x16x1024xf32, #tpu.memory_space<hbm>> -> memref<16x1024xf32, #tpu.memory_space<hbm>>
      %dma_start3A_263 = tpu.memref_slice %arg7[%dma_start3A_255] : memref<4x!tpu.dma_semaphore, #tpu.memory_space<semaphore_mem>> -> memref<1x!tpu.dma_semaphore, #tpu.memory_space<semaphore_mem>>
      %dma_start3A_264 = tpu.memref_squeeze %dma_start3A_263 : memref<1x!tpu.dma_semaphore, #tpu.memory_space<semaphore_mem>> -> memref<!tpu.dma_semaphore, #tpu.memory_space<semaphore_mem>>
      %dma_start3A_265 = arith.constant 0 : i32
      %dma_start3A_266 = arith.constant 0 : i32
      %dma_start3A_267 = tpu.memref_slice %arg5[%dma_start3A_254, %dma_start3A_265, %dma_start3A_266] : memref<4x16x1024xf32, #tpu.memory_space<vmem>> -> memref<1x16x1024xf32, #tpu.memory_space<vmem>>
      %dma_start3A_268 = tpu.memref_squeeze %dma_start3A_267 : memref<1x16x1024xf32, #tpu.memory_space<vmem>> -> memref<16x1024xf32, #tpu.memory_space<vmem>>
      %dma_start3A_269 = arith.constant 0 : i32
      %dma_start3A_270 = tpu.memref_slice %arg2[%dma_start3A_253, %add3A_252, %dma_start3A_269] : memref<4x8192x1024xf32, #tpu.memory_space<hbm>> -> memref<1x16x1024xf32, #tpu.memory_space<hbm>>
      %dma_start3A_271 = tpu.memref_squeeze %dma_start3A_270 : memref<1x16x1024xf32, #tpu.memory_space<hbm>> -> memref<16x1024xf32, #tpu.memory_space<hbm>>
      tpu.enqueue_dma source(%dma_start3A_271 : memref<16x1024xf32, #tpu.memory_space<hbm>>) target(%dma_start3A_268 : memref<16x1024xf32, #tpu.memory_space<vmem>>) target_semaphore(%dma_start3A_264 : memref<!tpu.dma_semaphore, #tpu.memory_space<semaphore_mem>>)
      %mul3A_272 = arith.constant 16 : i32
      %mul3A_273 = arith.muli %scan3A_150, %mul3A_272 : i32
      %add3A_274 = arith.addi %mul3A_2, %mul3A_273 : i32
      %dma_wait3A_275 = arith.constant 1 : i32
      %dma_wait3A_276 = arith.constant 1 : i32
      %dma_wait3A_277 = arith.constant 1 : i32
      %dma_wait3A_278 = arith.constant 0 : i32
      %dma_wait3A_279 = arith.constant 0 : i32
      %dma_wait3A_280 = tpu.memref_slice %arg5[%dma_wait3A_276, %dma_wait3A_278, %dma_wait3A_279] : memref<4x16x1024xf32, #tpu.memory_space<vmem>> -> memref<1x16x1024xf32, #tpu.memory_space<vmem>>
      %dma_wait3A_281 = tpu.memref_squeeze %dma_wait3A_280 : memref<1x16x1024xf32, #tpu.memory_space<vmem>> -> memref<16x1024xf32, #tpu.memory_space<vmem>>
      %dma_wait3A_282 = arith.constant 0 : i32
      %dma_wait3A_283 = tpu.memref_slice %arg2[%dma_wait3A_275, %add3A_274, %dma_wait3A_282] : memref<4x8192x1024xf32, #tpu.memory_space<hbm>> -> memref<1x16x1024xf32, #tpu.memory_space<hbm>>
      %dma_wait3A_284 = tpu.memref_squeeze %dma_wait3A_283 : memref<1x16x1024xf32, #tpu.memory_space<hbm>> -> memref<16x1024xf32, #tpu.memory_space<hbm>>
      %dma_wait3A_285 = tpu.memref_slice %arg7[%dma_wait3A_277] : memref<4x!tpu.dma_semaphore, #tpu.memory_space<semaphore_mem>> -> memref<1x!tpu.dma_semaphore, #tpu.memory_space<semaphore_mem>>
      %dma_wait3A_286 = tpu.memref_squeeze %dma_wait3A_285 : memref<1x!tpu.dma_semaphore, #tpu.memory_space<semaphore_mem>> -> memref<!tpu.dma_semaphore, #tpu.memory_space<semaphore_mem>>
      %dma_wait3A_287 = arith.constant 0 : i32
      %dma_wait3A_288 = arith.constant 0 : i32
      %dma_wait3A_289 = tpu.memref_slice %arg5[%dma_wait3A_276, %dma_wait3A_287, %dma_wait3A_288] : memref<4x16x1024xf32, #tpu.memory_space<vmem>> -> memref<1x16x1024xf32, #tpu.memory_space<vmem>>
      %dma_wait3A_290 = tpu.memref_squeeze %dma_wait3A_289 : memref<1x16x1024xf32, #tpu.memory_space<vmem>> -> memref<16x1024xf32, #tpu.memory_space<vmem>>
      %dma_wait3A_291 = arith.constant 0 : i32
      %dma_wait3A_292 = tpu.memref_slice %arg2[%dma_wait3A_275, %add3A_274, %dma_wait3A_291] : memref<4x8192x1024xf32, #tpu.memory_space<hbm>> -> memref<1x16x1024xf32, #tpu.memory_space<hbm>>
      %dma_wait3A_293 = tpu.memref_squeeze %dma_wait3A_292 : memref<1x16x1024xf32, #tpu.memory_space<hbm>> -> memref<16x1024xf32, #tpu.memory_space<hbm>>
      tpu.wait_dma2 semaphore(%dma_wait3A_286 : memref<!tpu.dma_semaphore, #tpu.memory_space<semaphore_mem>>) src(%dma_wait3A_293 : memref<16x1024xf32, #tpu.memory_space<hbm>>) dst(%dma_wait3A_290 : memref<16x1024xf32, #tpu.memory_space<vmem>>)
      %parallel_loop3A_294 = arith.constant 0 : i32
      %parallel_loop3A_295 = arith.constant 16384 : i32
      %parallel_loop3A_296 = arith.constant 16 : i32
      scf.for %parallel_loop3A_427 = %parallel_loop3A_294 to %parallel_loop3A_295 step %parallel_loop3A_296  : i32 {
        %parallel_loop3A_428 = arith.constant 10 : i32
        %parallel_loop3A_429 = arith.shrui %parallel_loop3A_427, %parallel_loop3A_428 : i32
        %parallel_loop3A_430 = arith.constant 1023 : i32
        %parallel_loop3A_431 = arith.andi %parallel_loop3A_427, %parallel_loop3A_430 : i32
        %parallel_loop3A_432 = tpu.assume_multiple %parallel_loop3A_431, 16 : i32
        %parallel_loop3A_433 = arith.index_cast %and3A_151 : i32 to index
        %parallel_loop3A_434 = arith.index_cast %parallel_loop3A_429 : i32 to index
        %parallel_loop3A_435 = arith.index_cast %parallel_loop3A_432 : i32 to index
        %parallel_loop3A_436 = tpu.vector_load %arg6[%parallel_loop3A_433, %parallel_loop3A_434, %parallel_loop3A_435] {strides = array<i32>} : memref<2x16x1024xf32, #tpu.memory_space<vmem>>, vector<1x1x16xf32>,
        %parallel_loop3A_437 = vector.shape_cast %parallel_loop3A_436 : vector<1x1x16xf32> to vector<16xf32>
        %parallel_loop3A_438 = arith.constant 1 : i32
        %parallel_loop3A_439 = arith.index_cast %parallel_loop3A_438 : i32 to index
        %parallel_loop3A_440 = arith.index_cast %parallel_loop3A_429 : i32 to index
        %parallel_loop3A_441 = arith.index_cast %parallel_loop3A_432 : i32 to index
        %parallel_loop3A_442 = tpu.vector_load %arg5[%parallel_loop3A_439, %parallel_loop3A_440, %parallel_loop3A_441] {strides = array<i32>} : memref<4x16x1024xf32, #tpu.memory_space<vmem>>, vector<1x1x16xf32>,
        %parallel_loop3A_443 = vector.shape_cast %parallel_loop3A_442 : vector<1x1x16xf32> to vector<16xf32>
        %parallel_loop3A_444 = vector.shape_cast %parallel_loop3A_437 : vector<16xf32> to vector<1x1x16xf32>
        tpu.vector_store %arg5[%parallel_loop3A_439, %parallel_loop3A_440, %parallel_loop3A_441], %parallel_loop3A_444 {add = true, strides = array<i32>} : memref<4x16x1024xf32, #tpu.memory_space<vmem>>, vector<1x1x16xf32>,
      } {sc.loop_unroll_factor = 8 : i64, sc.parallel_access}
      %mul3A_297 = arith.constant 16 : i32
      %mul3A_298 = arith.muli %scan3A_150, %mul3A_297 : i32
      %add3A_299 = arith.addi %mul3A_2, %mul3A_298 : i32
      %dma_start3A_300 = arith.constant 1 : i32
      %dma_start3A_301 = arith.constant 1 : i32
      %dma_start3A_302 = arith.constant 1 : i32
      %dma_start3A_303 = arith.constant 0 : i32
      %dma_start3A_304 = arith.constant 0 : i32
      %dma_start3A_305 = tpu.memref_slice %arg5[%dma_start3A_300, %dma_start3A_303, %dma_start3A_304] : memref<4x16x1024xf32, #tpu.memory_space<vmem>> -> memref<1x16x1024xf32, #tpu.memory_space<vmem>>
      %dma_start3A_306 = tpu.memref_squeeze %dma_start3A_305 : memref<1x16x1024xf32, #tpu.memory_space<vmem>> -> memref<16x1024xf32, #tpu.memory_space<vmem>>
      %dma_start3A_307 = arith.constant 0 : i32
      %dma_start3A_308 = tpu.memref_slice %arg4[%dma_start3A_301, %add3A_299, %dma_start3A_307] : memref<4x8192x1024xf32, #tpu.memory_space<hbm>> -> memref<1x16x1024xf32, #tpu.memory_space<hbm>>
      %dma_start3A_309 = tpu.memref_squeeze %dma_start3A_308 : memref<1x16x1024xf32, #tpu.memory_space<hbm>> -> memref<16x1024xf32, #tpu.memory_space<hbm>>
      %dma_start3A_310 = tpu.memref_slice %arg8[%dma_start3A_302] : memref<4x!tpu.dma_semaphore, #tpu.memory_space<semaphore_mem>> -> memref<1x!tpu.dma_semaphore, #tpu.memory_space<semaphore_mem>>
      %dma_start3A_311 = tpu.memref_squeeze %dma_start3A_310 : memref<1x!tpu.dma_semaphore, #tpu.memory_space<semaphore_mem>> -> memref<!tpu.dma_semaphore, #tpu.memory_space<semaphore_mem>>
      %dma_start3A_312 = arith.constant 0 : i32
      %dma_start3A_313 = tpu.memref_slice %arg4[%dma_start3A_301, %add3A_299, %dma_start3A_312] : memref<4x8192x1024xf32, #tpu.memory_space<hbm>> -> memref<1x16x1024xf32, #tpu.memory_space<hbm>>
      %dma_start3A_314 = tpu.memref_squeeze %dma_start3A_313 : memref<1x16x1024xf32, #tpu.memory_space<hbm>> -> memref<16x1024xf32, #tpu.memory_space<hbm>>
      %dma_start3A_315 = arith.constant 0 : i32
      %dma_start3A_316 = arith.constant 0 : i32
      %dma_start3A_317 = tpu.memref_slice %arg5[%dma_start3A_300, %dma_start3A_315, %dma_start3A_316] : memref<4x16x1024xf32, #tpu.memory_space<vmem>> -> memref<1x16x1024xf32, #tpu.memory_space<vmem>>
      %dma_start3A_318 = tpu.memref_squeeze %dma_start3A_317 : memref<1x16x1024xf32, #tpu.memory_space<vmem>> -> memref<16x1024xf32, #tpu.memory_space<vmem>>
      tpu.enqueue_dma source(%dma_start3A_318 : memref<16x1024xf32, #tpu.memory_space<vmem>>) target(%dma_start3A_314 : memref<16x1024xf32, #tpu.memory_space<hbm>>) target_semaphore(%dma_start3A_311 : memref<!tpu.dma_semaphore, #tpu.memory_space<semaphore_mem>>)
      %add3A_319 = arith.constant 1 : i32
      %add3A_320 = arith.addi %scan3A_150, %add3A_319 : i32
      %lt3A_321 = arith.constant 16 : i32
      %lt3A_322 = arith.cmpi slt, %add3A_320, %lt3A_321 : i32
      %convert_element_type3A_323 = arith.extui %lt3A_322 : i1 to i32
      %cond3A_324 = arith.constant 0 : i32
      %cond3A_325 = arith.cmpi ne, %convert_element_type3A_323, %cond3A_324 : i32
      scf.if %cond3A_325 {
        %mul3A_427 = arith.constant 16 : i32
        %mul3A_428 = arith.muli %scan3A_150, %mul3A_427 : i32
        %add3A_429 = arith.addi %mul3A_2, %mul3A_428 : i32
        %dma_wait3A_430 = arith.constant 0 : i32
        %dma_wait3A_431 = arith.constant 0 : i32
        %dma_wait3A_432 = arith.constant 0 : i32
        %dma_wait3A_433 = arith.constant 0 : i32
        %dma_wait3A_434 = arith.constant 0 : i32
        %dma_wait3A_435 = tpu.memref_slice %arg5[%dma_wait3A_430, %dma_wait3A_433, %dma_wait3A_434] : memref<4x16x1024xf32, #tpu.memory_space<vmem>> -> memref<1x16x1024xf32, #tpu.memory_space<vmem>>
        %dma_wait3A_436 = tpu.memref_squeeze %dma_wait3A_435 : memref<1x16x1024xf32, #tpu.memory_space<vmem>> -> memref<16x1024xf32, #tpu.memory_space<vmem>>
        %dma_wait3A_437 = arith.constant 0 : i32
        %dma_wait3A_438 = tpu.memref_slice %arg4[%dma_wait3A_431, %add3A_429, %dma_wait3A_437] : memref<4x8192x1024xf32, #tpu.memory_space<hbm>> -> memref<1x16x1024xf32, #tpu.memory_space<hbm>>
        %dma_wait3A_439 = tpu.memref_squeeze %dma_wait3A_438 : memref<1x16x1024xf32, #tpu.memory_space<hbm>> -> memref<16x1024xf32, #tpu.memory_space<hbm>>
        %dma_wait3A_440 = tpu.memref_slice %arg8[%dma_wait3A_432] : memref<4x!tpu.dma_semaphore, #tpu.memory_space<semaphore_mem>> -> memref<1x!tpu.dma_semaphore, #tpu.memory_space<semaphore_mem>>
        %dma_wait3A_441 = tpu.memref_squeeze %dma_wait3A_440 : memref<1x!tpu.dma_semaphore, #tpu.memory_space<semaphore_mem>> -> memref<!tpu.dma_semaphore, #tpu.memory_space<semaphore_mem>>
        %dma_wait3A_442 = arith.constant 0 : i32
        %dma_wait3A_443 = tpu.memref_slice %arg4[%dma_wait3A_431, %add3A_429, %dma_wait3A_442] : memref<4x8192x1024xf32, #tpu.memory_space<hbm>> -> memref<1x16x1024xf32, #tpu.memory_space<hbm>>
        %dma_wait3A_444 = tpu.memref_squeeze %dma_wait3A_443 : memref<1x16x1024xf32, #tpu.memory_space<hbm>> -> memref<16x1024xf32, #tpu.memory_space<hbm>>
        %dma_wait3A_445 = arith.constant 0 : i32
        %dma_wait3A_446 = arith.constant 0 : i32
        %dma_wait3A_447 = tpu.memref_slice %arg5[%dma_wait3A_430, %dma_wait3A_445, %dma_wait3A_446] : memref<4x16x1024xf32, #tpu.memory_space<vmem>> -> memref<1x16x1024xf32, #tpu.memory_space<vmem>>
        %dma_wait3A_448 = tpu.memref_squeeze %dma_wait3A_447 : memref<1x16x1024xf32, #tpu.memory_space<vmem>> -> memref<16x1024xf32, #tpu.memory_space<vmem>>
        tpu.wait_dma2 semaphore(%dma_wait3A_441 : memref<!tpu.dma_semaphore, #tpu.memory_space<semaphore_mem>>) src(%dma_wait3A_448 : memref<16x1024xf32, #tpu.memory_space<vmem>>) dst(%dma_wait3A_444 : memref<16x1024xf32, #tpu.memory_space<hbm>>)
        %add3A_449 = arith.constant 1 : i32
        %add3A_450 = arith.addi %scan3A_150, %add3A_449 : i32
        %mul3A_451 = arith.constant 16 : i32
        %mul3A_452 = arith.muli %add3A_450, %mul3A_451 : i32
        %add3A_453 = arith.addi %mul3A_2, %mul3A_452 : i32
        %dma_start3A_454 = arith.constant 0 : i32
        %dma_start3A_455 = arith.constant 0 : i32
        %dma_start3A_456 = arith.constant 0 : i32
        %dma_start3A_457 = arith.constant 0 : i32
        %dma_start3A_458 = arith.constant 0 : i32
        %dma_start3A_459 = tpu.memref_slice %arg5[%dma_start3A_455, %dma_start3A_457, %dma_start3A_458] : memref<4x16x1024xf32, #tpu.memory_space<vmem>> -> memref<1x16x1024xf32, #tpu.memory_space<vmem>>
        %dma_start3A_460 = tpu.memref_squeeze %dma_start3A_459 : memref<1x16x1024xf32, #tpu.memory_space<vmem>> -> memref<16x1024xf32, #tpu.memory_space<vmem>>
        %dma_start3A_461 = arith.constant 0 : i32
        %dma_start3A_462 = tpu.memref_slice %arg2[%dma_start3A_454, %add3A_453, %dma_start3A_461] : memref<4x8192x1024xf32, #tpu.memory_space<hbm>> -> memref<1x16x1024xf32, #tpu.memory_space<hbm>>
        %dma_start3A_463 = tpu.memref_squeeze %dma_start3A_462 : memref<1x16x1024xf32, #tpu.memory_space<hbm>> -> memref<16x1024xf32, #tpu.memory_space<hbm>>
        %dma_start3A_464 = tpu.memref_slice %arg7[%dma_start3A_456] : memref<4x!tpu.dma_semaphore, #tpu.memory_space<semaphore_mem>> -> memref<1x!tpu.dma_semaphore, #tpu.memory_space<semaphore_mem>>
        %dma_start3A_465 = tpu.memref_squeeze %dma_start3A_464 : memref<1x!tpu.dma_semaphore, #tpu.memory_space<semaphore_mem>> -> memref<!tpu.dma_semaphore, #tpu.memory_space<semaphore_mem>>
        %dma_start3A_466 = arith.constant 0 : i32
        %dma_start3A_467 = arith.constant 0 : i32
        %dma_start3A_468 = tpu.memref_slice %arg5[%dma_start3A_455, %dma_start3A_466, %dma_start3A_467] : memref<4x16x1024xf32, #tpu.memory_space<vmem>> -> memref<1x16x1024xf32, #tpu.memory_space<vmem>>
        %dma_start3A_469 = tpu.memref_squeeze %dma_start3A_468 : memref<1x16x1024xf32, #tpu.memory_space<vmem>> -> memref<16x1024xf32, #tpu.memory_space<vmem>>
        %dma_start3A_470 = arith.constant 0 : i32
        %dma_start3A_471 = tpu.memref_slice %arg2[%dma_start3A_454, %add3A_453, %dma_start3A_470] : memref<4x8192x1024xf32, #tpu.memory_space<hbm>> -> memref<1x16x1024xf32, #tpu.memory_space<hbm>>
        %dma_start3A_472 = tpu.memref_squeeze %dma_start3A_471 : memref<1x16x1024xf32, #tpu.memory_space<hbm>> -> memref<16x1024xf32, #tpu.memory_space<hbm>>
        tpu.enqueue_dma source(%dma_start3A_472 : memref<16x1024xf32, #tpu.memory_space<hbm>>) target(%dma_start3A_469 : memref<16x1024xf32, #tpu.memory_space<vmem>>) target_semaphore(%dma_start3A_465 : memref<!tpu.dma_semaphore, #tpu.memory_space<semaphore_mem>>)
      } else {
      }
      %mul3A_326 = arith.constant 16 : i32
      %mul3A_327 = arith.muli %scan3A_150, %mul3A_326 : i32
      %add3A_328 = arith.addi %mul3A_2, %mul3A_327 : i32
      %dma_wait3A_329 = arith.constant 2 : i32
      %dma_wait3A_330 = arith.constant 2 : i32
      %dma_wait3A_331 = arith.constant 2 : i32
      %dma_wait3A_332 = arith.constant 0 : i32
      %dma_wait3A_333 = arith.constant 0 : i32
      %dma_wait3A_334 = tpu.memref_slice %arg5[%dma_wait3A_330, %dma_wait3A_332, %dma_wait3A_333] : memref<4x16x1024xf32, #tpu.memory_space<vmem>> -> memref<1x16x1024xf32, #tpu.memory_space<vmem>>
      %dma_wait3A_335 = tpu.memref_squeeze %dma_wait3A_334 : memref<1x16x1024xf32, #tpu.memory_space<vmem>> -> memref<16x1024xf32, #tpu.memory_space<vmem>>
      %dma_wait3A_336 = arith.constant 0 : i32
      %dma_wait3A_337 = tpu.memref_slice %arg2[%dma_wait3A_329, %add3A_328, %dma_wait3A_336] : memref<4x8192x1024xf32, #tpu.memory_space<hbm>> -> memref<1x16x1024xf32, #tpu.memory_space<hbm>>
      %dma_wait3A_338 = tpu.memref_squeeze %dma_wait3A_337 : memref<1x16x1024xf32, #tpu.memory_space<hbm>> -> memref<16x1024xf32, #tpu.memory_space<hbm>>
      %dma_wait3A_339 = tpu.memref_slice %arg7[%dma_wait3A_331] : memref<4x!tpu.dma_semaphore, #tpu.memory_space<semaphore_mem>> -> memref<1x!tpu.dma_semaphore, #tpu.memory_space<semaphore_mem>>
      %dma_wait3A_340 = tpu.memref_squeeze %dma_wait3A_339 : memref<1x!tpu.dma_semaphore, #tpu.memory_space<semaphore_mem>> -> memref<!tpu.dma_semaphore, #tpu.memory_space<semaphore_mem>>
      %dma_wait3A_341 = arith.constant 0 : i32
      %dma_wait3A_342 = arith.constant 0 : i32
      %dma_wait3A_343 = tpu.memref_slice %arg5[%dma_wait3A_330, %dma_wait3A_341, %dma_wait3A_342] : memref<4x16x1024xf32, #tpu.memory_space<vmem>> -> memref<1x16x1024xf32, #tpu.memory_space<vmem>>
      %dma_wait3A_344 = tpu.memref_squeeze %dma_wait3A_343 : memref<1x16x1024xf32, #tpu.memory_space<vmem>> -> memref<16x1024xf32, #tpu.memory_space<vmem>>
      %dma_wait3A_345 = arith.constant 0 : i32
      %dma_wait3A_346 = tpu.memref_slice %arg2[%dma_wait3A_329, %add3A_328, %dma_wait3A_345] : memref<4x8192x1024xf32, #tpu.memory_space<hbm>> -> memref<1x16x1024xf32, #tpu.memory_space<hbm>>
      %dma_wait3A_347 = tpu.memref_squeeze %dma_wait3A_346 : memref<1x16x1024xf32, #tpu.memory_space<hbm>> -> memref<16x1024xf32, #tpu.memory_space<hbm>>
      tpu.wait_dma2 semaphore(%dma_wait3A_340 : memref<!tpu.dma_semaphore, #tpu.memory_space<semaphore_mem>>) src(%dma_wait3A_347 : memref<16x1024xf32, #tpu.memory_space<hbm>>) dst(%dma_wait3A_344 : memref<16x1024xf32, #tpu.memory_space<vmem>>)
      %parallel_loop3A_348 = arith.constant 0 : i32
      %parallel_loop3A_349 = arith.constant 16384 : i32
      %parallel_loop3A_350 = arith.constant 16 : i32
      scf.for %parallel_loop3A_427 = %parallel_loop3A_348 to %parallel_loop3A_349 step %parallel_loop3A_350  : i32 {
        %parallel_loop3A_428 = arith.constant 10 : i32
        %parallel_loop3A_429 = arith.shrui %parallel_loop3A_427, %parallel_loop3A_428 : i32
        %parallel_loop3A_430 = arith.constant 1023 : i32
        %parallel_loop3A_431 = arith.andi %parallel_loop3A_427, %parallel_loop3A_430 : i32
        %parallel_loop3A_432 = tpu.assume_multiple %parallel_loop3A_431, 16 : i32
        %parallel_loop3A_433 = arith.index_cast %and3A_151 : i32 to index
        %parallel_loop3A_434 = arith.index_cast %parallel_loop3A_429 : i32 to index
        %parallel_loop3A_435 = arith.index_cast %parallel_loop3A_432 : i32 to index
        %parallel_loop3A_436 = tpu.vector_load %arg6[%parallel_loop3A_433, %parallel_loop3A_434, %parallel_loop3A_435] {strides = array<i32>} : memref<2x16x1024xf32, #tpu.memory_space<vmem>>, vector<1x1x16xf32>,
        %parallel_loop3A_437 = vector.shape_cast %parallel_loop3A_436 : vector<1x1x16xf32> to vector<16xf32>
        %parallel_loop3A_438 = arith.constant 2 : i32
        %parallel_loop3A_439 = arith.index_cast %parallel_loop3A_438 : i32 to index
        %parallel_loop3A_440 = arith.index_cast %parallel_loop3A_429 : i32 to index
        %parallel_loop3A_441 = arith.index_cast %parallel_loop3A_432 : i32 to index
        %parallel_loop3A_442 = tpu.vector_load %arg5[%parallel_loop3A_439, %parallel_loop3A_440, %parallel_loop3A_441] {strides = array<i32>} : memref<4x16x1024xf32, #tpu.memory_space<vmem>>, vector<1x1x16xf32>,
        %parallel_loop3A_443 = vector.shape_cast %parallel_loop3A_442 : vector<1x1x16xf32> to vector<16xf32>
        %parallel_loop3A_444 = vector.shape_cast %parallel_loop3A_437 : vector<16xf32> to vector<1x1x16xf32>
        tpu.vector_store %arg5[%parallel_loop3A_439, %parallel_loop3A_440, %parallel_loop3A_441], %parallel_loop3A_444 {add = true, strides = array<i32>} : memref<4x16x1024xf32, #tpu.memory_space<vmem>>, vector<1x1x16xf32>,
      } {sc.loop_unroll_factor = 8 : i64, sc.parallel_access}
      %mul3A_351 = arith.constant 16 : i32
      %mul3A_352 = arith.muli %scan3A_150, %mul3A_351 : i32
      %add3A_353 = arith.addi %mul3A_2, %mul3A_352 : i32
      %dma_start3A_354 = arith.constant 2 : i32
      %dma_start3A_355 = arith.constant 2 : i32
      %dma_start3A_356 = arith.constant 2 : i32
      %dma_start3A_357 = arith.constant 0 : i32
      %dma_start3A_358 = arith.constant 0 : i32
      %dma_start3A_359 = tpu.memref_slice %arg5[%dma_start3A_354, %dma_start3A_357, %dma_start3A_358] : memref<4x16x1024xf32, #tpu.memory_space<vmem>> -> memref<1x16x1024xf32, #tpu.memory_space<vmem>>
      %dma_start3A_360 = tpu.memref_squeeze %dma_start3A_359 : memref<1x16x1024xf32, #tpu.memory_space<vmem>> -> memref<16x1024xf32, #tpu.memory_space<vmem>>
      %dma_start3A_361 = arith.constant 0 : i32
      %dma_start3A_362 = tpu.memref_slice %arg4[%dma_start3A_355, %add3A_353, %dma_start3A_361] : memref<4x8192x1024xf32, #tpu.memory_space<hbm>> -> memref<1x16x1024xf32, #tpu.memory_space<hbm>>
      %dma_start3A_363 = tpu.memref_squeeze %dma_start3A_362 : memref<1x16x1024xf32, #tpu.memory_space<hbm>> -> memref<16x1024xf32, #tpu.memory_space<hbm>>
      %dma_start3A_364 = tpu.memref_slice %arg8[%dma_start3A_356] : memref<4x!tpu.dma_semaphore, #tpu.memory_space<semaphore_mem>> -> memref<1x!tpu.dma_semaphore, #tpu.memory_space<semaphore_mem>>
      %dma_start3A_365 = tpu.memref_squeeze %dma_start3A_364 : memref<1x!tpu.dma_semaphore, #tpu.memory_space<semaphore_mem>> -> memref<!tpu.dma_semaphore, #tpu.memory_space<semaphore_mem>>
      %dma_start3A_366 = arith.constant 0 : i32
      %dma_start3A_367 = tpu.memref_slice %arg4[%dma_start3A_355, %add3A_353, %dma_start3A_366] : memref<4x8192x1024xf32, #tpu.memory_space<hbm>> -> memref<1x16x1024xf32, #tpu.memory_space<hbm>>
      %dma_start3A_368 = tpu.memref_squeeze %dma_start3A_367 : memref<1x16x1024xf32, #tpu.memory_space<hbm>> -> memref<16x1024xf32, #tpu.memory_space<hbm>>
      %dma_start3A_369 = arith.constant 0 : i32
      %dma_start3A_370 = arith.constant 0 : i32
      %dma_start3A_371 = tpu.memref_slice %arg5[%dma_start3A_354, %dma_start3A_369, %dma_start3A_370] : memref<4x16x1024xf32, #tpu.memory_space<vmem>> -> memref<1x16x1024xf32, #tpu.memory_space<vmem>>
      %dma_start3A_372 = tpu.memref_squeeze %dma_start3A_371 : memref<1x16x1024xf32, #tpu.memory_space<vmem>> -> memref<16x1024xf32, #tpu.memory_space<vmem>>
      tpu.enqueue_dma source(%dma_start3A_372 : memref<16x1024xf32, #tpu.memory_space<vmem>>) target(%dma_start3A_368 : memref<16x1024xf32, #tpu.memory_space<hbm>>) target_semaphore(%dma_start3A_365 : memref<!tpu.dma_semaphore, #tpu.memory_space<semaphore_mem>>)
      %add3A_373 = arith.constant 1 : i32
      %add3A_374 = arith.addi %scan3A_150, %add3A_373 : i32
      %lt3A_375 = arith.constant 16 : i32
      %lt3A_376 = arith.cmpi slt, %add3A_374, %lt3A_375 : i32
      %convert_element_type3A_377 = arith.extui %lt3A_376 : i1 to i32
      %cond3A_378 = arith.constant 0 : i32
      %cond3A_379 = arith.cmpi ne, %convert_element_type3A_377, %cond3A_378 : i32
      scf.if %cond3A_379 {
        %mul3A_427 = arith.constant 16 : i32
        %mul3A_428 = arith.muli %scan3A_150, %mul3A_427 : i32
        %add3A_429 = arith.addi %mul3A_2, %mul3A_428 : i32
        %dma_wait3A_430 = arith.constant 1 : i32
        %dma_wait3A_431 = arith.constant 1 : i32
        %dma_wait3A_432 = arith.constant 1 : i32
        %dma_wait3A_433 = arith.constant 0 : i32
        %dma_wait3A_434 = arith.constant 0 : i32
        %dma_wait3A_435 = tpu.memref_slice %arg5[%dma_wait3A_430, %dma_wait3A_433, %dma_wait3A_434] : memref<4x16x1024xf32, #tpu.memory_space<vmem>> -> memref<1x16x1024xf32, #tpu.memory_space<vmem>>
        %dma_wait3A_436 = tpu.memref_squeeze %dma_wait3A_435 : memref<1x16x1024xf32, #tpu.memory_space<vmem>> -> memref<16x1024xf32, #tpu.memory_space<vmem>>
        %dma_wait3A_437 = arith.constant 0 : i32
        %dma_wait3A_438 = tpu.memref_slice %arg4[%dma_wait3A_431, %add3A_429, %dma_wait3A_437] : memref<4x8192x1024xf32, #tpu.memory_space<hbm>> -> memref<1x16x1024xf32, #tpu.memory_space<hbm>>
        %dma_wait3A_439 = tpu.memref_squeeze %dma_wait3A_438 : memref<1x16x1024xf32, #tpu.memory_space<hbm>> -> memref<16x1024xf32, #tpu.memory_space<hbm>>
        %dma_wait3A_440 = tpu.memref_slice %arg8[%dma_wait3A_432] : memref<4x!tpu.dma_semaphore, #tpu.memory_space<semaphore_mem>> -> memref<1x!tpu.dma_semaphore, #tpu.memory_space<semaphore_mem>>
        %dma_wait3A_441 = tpu.memref_squeeze %dma_wait3A_440 : memref<1x!tpu.dma_semaphore, #tpu.memory_space<semaphore_mem>> -> memref<!tpu.dma_semaphore, #tpu.memory_space<semaphore_mem>>
        %dma_wait3A_442 = arith.constant 0 : i32
        %dma_wait3A_443 = tpu.memref_slice %arg4[%dma_wait3A_431, %add3A_429, %dma_wait3A_442] : memref<4x8192x1024xf32, #tpu.memory_space<hbm>> -> memref<1x16x1024xf32, #tpu.memory_space<hbm>>
        %dma_wait3A_444 = tpu.memref_squeeze %dma_wait3A_443 : memref<1x16x1024xf32, #tpu.memory_space<hbm>> -> memref<16x1024xf32, #tpu.memory_space<hbm>>
        %dma_wait3A_445 = arith.constant 0 : i32
        %dma_wait3A_446 = arith.constant 0 : i32
        %dma_wait3A_447 = tpu.memref_slice %arg5[%dma_wait3A_430, %dma_wait3A_445, %dma_wait3A_446] : memref<4x16x1024xf32, #tpu.memory_space<vmem>> -> memref<1x16x1024xf32, #tpu.memory_space<vmem>>
        %dma_wait3A_448 = tpu.memref_squeeze %dma_wait3A_447 : memref<1x16x1024xf32, #tpu.memory_space<vmem>> -> memref<16x1024xf32, #tpu.memory_space<vmem>>
        tpu.wait_dma2 semaphore(%dma_wait3A_441 : memref<!tpu.dma_semaphore, #tpu.memory_space<semaphore_mem>>) src(%dma_wait3A_448 : memref<16x1024xf32, #tpu.memory_space<vmem>>) dst(%dma_wait3A_444 : memref<16x1024xf32, #tpu.memory_space<hbm>>)
        %add3A_449 = arith.constant 1 : i32
        %add3A_450 = arith.addi %scan3A_150, %add3A_449 : i32
        %mul3A_451 = arith.constant 16 : i32
        %mul3A_452 = arith.muli %add3A_450, %mul3A_451 : i32
        %add3A_453 = arith.addi %mul3A_2, %mul3A_452 : i32
        %dma_start3A_454 = arith.constant 1 : i32
        %dma_start3A_455 = arith.constant 1 : i32
        %dma_start3A_456 = arith.constant 1 : i32
        %dma_start3A_457 = arith.constant 0 : i32
        %dma_start3A_458 = arith.constant 0 : i32
        %dma_start3A_459 = tpu.memref_slice %arg5[%dma_start3A_455, %dma_start3A_457, %dma_start3A_458] : memref<4x16x1024xf32, #tpu.memory_space<vmem>> -> memref<1x16x1024xf32, #tpu.memory_space<vmem>>
        %dma_start3A_460 = tpu.memref_squeeze %dma_start3A_459 : memref<1x16x1024xf32, #tpu.memory_space<vmem>> -> memref<16x1024xf32, #tpu.memory_space<vmem>>
        %dma_start3A_461 = arith.constant 0 : i32
        %dma_start3A_462 = tpu.memref_slice %arg2[%dma_start3A_454, %add3A_453, %dma_start3A_461] : memref<4x8192x1024xf32, #tpu.memory_space<hbm>> -> memref<1x16x1024xf32, #tpu.memory_space<hbm>>
        %dma_start3A_463 = tpu.memref_squeeze %dma_start3A_462 : memref<1x16x1024xf32, #tpu.memory_space<hbm>> -> memref<16x1024xf32, #tpu.memory_space<hbm>>
        %dma_start3A_464 = tpu.memref_slice %arg7[%dma_start3A_456] : memref<4x!tpu.dma_semaphore, #tpu.memory_space<semaphore_mem>> -> memref<1x!tpu.dma_semaphore, #tpu.memory_space<semaphore_mem>>
        %dma_start3A_465 = tpu.memref_squeeze %dma_start3A_464 : memref<1x!tpu.dma_semaphore, #tpu.memory_space<semaphore_mem>> -> memref<!tpu.dma_semaphore, #tpu.memory_space<semaphore_mem>>
        %dma_start3A_466 = arith.constant 0 : i32
        %dma_start3A_467 = arith.constant 0 : i32
        %dma_start3A_468 = tpu.memref_slice %arg5[%dma_start3A_455, %dma_start3A_466, %dma_start3A_467] : memref<4x16x1024xf32, #tpu.memory_space<vmem>> -> memref<1x16x1024xf32, #tpu.memory_space<vmem>>
        %dma_start3A_469 = tpu.memref_squeeze %dma_start3A_468 : memref<1x16x1024xf32, #tpu.memory_space<vmem>> -> memref<16x1024xf32, #tpu.memory_space<vmem>>
        %dma_start3A_470 = arith.constant 0 : i32
        %dma_start3A_471 = tpu.memref_slice %arg2[%dma_start3A_454, %add3A_453, %dma_start3A_470] : memref<4x8192x1024xf32, #tpu.memory_space<hbm>> -> memref<1x16x1024xf32, #tpu.memory_space<hbm>>
        %dma_start3A_472 = tpu.memref_squeeze %dma_start3A_471 : memref<1x16x1024xf32, #tpu.memory_space<hbm>> -> memref<16x1024xf32, #tpu.memory_space<hbm>>
        tpu.enqueue_dma source(%dma_start3A_472 : memref<16x1024xf32, #tpu.memory_space<hbm>>) target(%dma_start3A_469 : memref<16x1024xf32, #tpu.memory_space<vmem>>) target_semaphore(%dma_start3A_465 : memref<!tpu.dma_semaphore, #tpu.memory_space<semaphore_mem>>)
      } else {
      }
      %mul3A_380 = arith.constant 16 : i32
      %mul3A_381 = arith.muli %scan3A_150, %mul3A_380 : i32
      %add3A_382 = arith.addi %mul3A_2, %mul3A_381 : i32
      %dma_wait3A_383 = arith.constant 3 : i32
      %dma_wait3A_384 = arith.constant 3 : i32
      %dma_wait3A_385 = arith.constant 3 : i32
      %dma_wait3A_386 = arith.constant 0 : i32
      %dma_wait3A_387 = arith.constant 0 : i32
      %dma_wait3A_388 = tpu.memref_slice %arg5[%dma_wait3A_384, %dma_wait3A_386, %dma_wait3A_387] : memref<4x16x1024xf32, #tpu.memory_space<vmem>> -> memref<1x16x1024xf32, #tpu.memory_space<vmem>>
      %dma_wait3A_389 = tpu.memref_squeeze %dma_wait3A_388 : memref<1x16x1024xf32, #tpu.memory_space<vmem>> -> memref<16x1024xf32, #tpu.memory_space<vmem>>
      %dma_wait3A_390 = arith.constant 0 : i32
      %dma_wait3A_391 = tpu.memref_slice %arg2[%dma_wait3A_383, %add3A_382, %dma_wait3A_390] : memref<4x8192x1024xf32, #tpu.memory_space<hbm>> -> memref<1x16x1024xf32, #tpu.memory_space<hbm>>
      %dma_wait3A_392 = tpu.memref_squeeze %dma_wait3A_391 : memref<1x16x1024xf32, #tpu.memory_space<hbm>> -> memref<16x1024xf32, #tpu.memory_space<hbm>>
      %dma_wait3A_393 = tpu.memref_slice %arg7[%dma_wait3A_385] : memref<4x!tpu.dma_semaphore, #tpu.memory_space<semaphore_mem>> -> memref<1x!tpu.dma_semaphore, #tpu.memory_space<semaphore_mem>>
      %dma_wait3A_394 = tpu.memref_squeeze %dma_wait3A_393 : memref<1x!tpu.dma_semaphore, #tpu.memory_space<semaphore_mem>> -> memref<!tpu.dma_semaphore, #tpu.memory_space<semaphore_mem>>
      %dma_wait3A_395 = arith.constant 0 : i32
      %dma_wait3A_396 = arith.constant 0 : i32
      %dma_wait3A_397 = tpu.memref_slice %arg5[%dma_wait3A_384, %dma_wait3A_395, %dma_wait3A_396] : memref<4x16x1024xf32, #tpu.memory_space<vmem>> -> memref<1x16x1024xf32, #tpu.memory_space<vmem>>
      %dma_wait3A_398 = tpu.memref_squeeze %dma_wait3A_397 : memref<1x16x1024xf32, #tpu.memory_space<vmem>> -> memref<16x1024xf32, #tpu.memory_space<vmem>>
      %dma_wait3A_399 = arith.constant 0 : i32
      %dma_wait3A_400 = tpu.memref_slice %arg2[%dma_wait3A_383, %add3A_382, %dma_wait3A_399] : memref<4x8192x1024xf32, #tpu.memory_space<hbm>> -> memref<1x16x1024xf32, #tpu.memory_space<hbm>>
      %dma_wait3A_401 = tpu.memref_squeeze %dma_wait3A_400 : memref<1x16x1024xf32, #tpu.memory_space<hbm>> -> memref<16x1024xf32, #tpu.memory_space<hbm>>
      tpu.wait_dma2 semaphore(%dma_wait3A_394 : memref<!tpu.dma_semaphore, #tpu.memory_space<semaphore_mem>>) src(%dma_wait3A_401 : memref<16x1024xf32, #tpu.memory_space<hbm>>) dst(%dma_wait3A_398 : memref<16x1024xf32, #tpu.memory_space<vmem>>)
      %parallel_loop3A_402 = arith.constant 0 : i32
      %parallel_loop3A_403 = arith.constant 16384 : i32
      %parallel_loop3A_404 = arith.constant 16 : i32
      scf.for %parallel_loop3A_427 = %parallel_loop3A_402 to %parallel_loop3A_403 step %parallel_loop3A_404  : i32 {
        %parallel_loop3A_428 = arith.constant 10 : i32
        %parallel_loop3A_429 = arith.shrui %parallel_loop3A_427, %parallel_loop3A_428 : i32
        %parallel_loop3A_430 = arith.constant 1023 : i32
        %parallel_loop3A_431 = arith.andi %parallel_loop3A_427, %parallel_loop3A_430 : i32
        %parallel_loop3A_432 = tpu.assume_multiple %parallel_loop3A_431, 16 : i32
        %parallel_loop3A_433 = arith.index_cast %and3A_151 : i32 to index
        %parallel_loop3A_434 = arith.index_cast %parallel_loop3A_429 : i32 to index
        %parallel_loop3A_435 = arith.index_cast %parallel_loop3A_432 : i32 to index
        %parallel_loop3A_436 = tpu.vector_load %arg6[%parallel_loop3A_433, %parallel_loop3A_434, %parallel_loop3A_435] {strides = array<i32>} : memref<2x16x1024xf32, #tpu.memory_space<vmem>>, vector<1x1x16xf32>,
        %parallel_loop3A_437 = vector.shape_cast %parallel_loop3A_436 : vector<1x1x16xf32> to vector<16xf32>
        %parallel_loop3A_438 = arith.constant 3 : i32
        %parallel_loop3A_439 = arith.index_cast %parallel_loop3A_438 : i32 to index
        %parallel_loop3A_440 = arith.index_cast %parallel_loop3A_429 : i32 to index
        %parallel_loop3A_441 = arith.index_cast %parallel_loop3A_432 : i32 to index
        %parallel_loop3A_442 = tpu.vector_load %arg5[%parallel_loop3A_439, %parallel_loop3A_440, %parallel_loop3A_441] {strides = array<i32>} : memref<4x16x1024xf32, #tpu.memory_space<vmem>>, vector<1x1x16xf32>,
        %parallel_loop3A_443 = vector.shape_cast %parallel_loop3A_442 : vector<1x1x16xf32> to vector<16xf32>
        %parallel_loop3A_444 = vector.shape_cast %parallel_loop3A_437 : vector<16xf32> to vector<1x1x16xf32>
        tpu.vector_store %arg5[%parallel_loop3A_439, %parallel_loop3A_440, %parallel_loop3A_441], %parallel_loop3A_444 {add = true, strides = array<i32>} : memref<4x16x1024xf32, #tpu.memory_space<vmem>>, vector<1x1x16xf32>,
      } {sc.loop_unroll_factor = 8 : i64, sc.parallel_access}
      %mul3A_405 = arith.constant 16 : i32
      %mul3A_406 = arith.muli %scan3A_150, %mul3A_405 : i32
      %add3A_407 = arith.addi %mul3A_2, %mul3A_406 : i32
      %dma_start3A_408 = arith.constant 3 : i32
      %dma_start3A_409 = arith.constant 3 : i32
      %dma_start3A_410 = arith.constant 3 : i32
      %dma_start3A_411 = arith.constant 0 : i32
      %dma_start3A_412 = arith.constant 0 : i32
      %dma_start3A_413 = tpu.memref_slice %arg5[%dma_start3A_408, %dma_start3A_411, %dma_start3A_412] : memref<4x16x1024xf32, #tpu.memory_space<vmem>> -> memref<1x16x1024xf32, #tpu.memory_space<vmem>>
      %dma_start3A_414 = tpu.memref_squeeze %dma_start3A_413 : memref<1x16x1024xf32, #tpu.memory_space<vmem>> -> memref<16x1024xf32, #tpu.memory_space<vmem>>
      %dma_start3A_415 = arith.constant 0 : i32
      %dma_start3A_416 = tpu.memref_slice %arg4[%dma_start3A_409, %add3A_407, %dma_start3A_415] : memref<4x8192x1024xf32, #tpu.memory_space<hbm>> -> memref<1x16x1024xf32, #tpu.memory_space<hbm>>
      %dma_start3A_417 = tpu.memref_squeeze %dma_start3A_416 : memref<1x16x1024xf32, #tpu.memory_space<hbm>> -> memref<16x1024xf32, #tpu.memory_space<hbm>>
      %dma_start3A_418 = tpu.memref_slice %arg8[%dma_start3A_410] : memref<4x!tpu.dma_semaphore, #tpu.memory_space<semaphore_mem>> -> memref<1x!tpu.dma_semaphore, #tpu.memory_space<semaphore_mem>>
      %dma_start3A_419 = tpu.memref_squeeze %dma_start3A_418 : memref<1x!tpu.dma_semaphore, #tpu.memory_space<semaphore_mem>> -> memref<!tpu.dma_semaphore, #tpu.memory_space<semaphore_mem>>
      %dma_start3A_420 = arith.constant 0 : i32
      %dma_start3A_421 = tpu.memref_slice %arg4[%dma_start3A_409, %add3A_407, %dma_start3A_420] : memref<4x8192x1024xf32, #tpu.memory_space<hbm>> -> memref<1x16x1024xf32, #tpu.memory_space<hbm>>
      %dma_start3A_422 = tpu.memref_squeeze %dma_start3A_421 : memref<1x16x1024xf32, #tpu.memory_space<hbm>> -> memref<16x1024xf32, #tpu.memory_space<hbm>>
      %dma_start3A_423 = arith.constant 0 : i32
      %dma_start3A_424 = arith.constant 0 : i32
      %dma_start3A_425 = tpu.memref_slice %arg5[%dma_start3A_408, %dma_start3A_423, %dma_start3A_424] : memref<4x16x1024xf32, #tpu.memory_space<vmem>> -> memref<1x16x1024xf32, #tpu.memory_space<vmem>>
      %dma_start3A_426 = tpu.memref_squeeze %dma_start3A_425 : memref<1x16x1024xf32, #tpu.memory_space<vmem>> -> memref<16x1024xf32, #tpu.memory_space<vmem>>
      tpu.enqueue_dma source(%dma_start3A_426 : memref<16x1024xf32, #tpu.memory_space<vmem>>) target(%dma_start3A_422 : memref<16x1024xf32, #tpu.memory_space<hbm>>) target_semaphore(%dma_start3A_419 : memref<!tpu.dma_semaphore, #tpu.memory_space<semaphore_mem>>)
    }
    %scan3A_66 = arith.constant 16 : i32
    %add3A_67 = arith.constant 240 : i32
    %add3A_68 = arith.addi %mul3A_2, %add3A_67 : i32
    %dma_wait3A = arith.constant 0 : i32
    %dma_wait3A_69 = arith.constant 0 : i32
    %dma_wait3A_70 = arith.constant 0 : i32
    %dma_wait3A_71 = arith.constant 0 : i32
    %dma_wait3A_72 = arith.constant 0 : i32
    %dma_wait3A_73 = tpu.memref_slice %arg5[%dma_wait3A, %dma_wait3A_71, %dma_wait3A_72] : memref<4x16x1024xf32, #tpu.memory_space<vmem>> -> memref<1x16x1024xf32, #tpu.memory_space<vmem>>
    %dma_wait3A_74 = tpu.memref_squeeze %dma_wait3A_73 : memref<1x16x1024xf32, #tpu.memory_space<vmem>> -> memref<16x1024xf32, #tpu.memory_space<vmem>>
    %dma_wait3A_75 = arith.constant 0 : i32
    %dma_wait3A_76 = tpu.memref_slice %arg4[%dma_wait3A_69, %add3A_68, %dma_wait3A_75] : memref<4x8192x1024xf32, #tpu.memory_space<hbm>> -> memref<1x16x1024xf32, #tpu.memory_space<hbm>>
    %dma_wait3A_77 = tpu.memref_squeeze %dma_wait3A_76 : memref<1x16x1024xf32, #tpu.memory_space<hbm>> -> memref<16x1024xf32, #tpu.memory_space<hbm>>
    %dma_wait3A_78 = tpu.memref_slice %arg8[%dma_wait3A_70] : memref<4x!tpu.dma_semaphore, #tpu.memory_space<semaphore_mem>> -> memref<1x!tpu.dma_semaphore, #tpu.memory_space<semaphore_mem>>
    %dma_wait3A_79 = tpu.memref_squeeze %dma_wait3A_78 : memref<1x!tpu.dma_semaphore, #tpu.memory_space<semaphore_mem>> -> memref<!tpu.dma_semaphore, #tpu.memory_space<semaphore_mem>>
    %dma_wait3A_80 = arith.constant 0 : i32
    %dma_wait3A_81 = tpu.memref_slice %arg4[%dma_wait3A_69, %add3A_68, %dma_wait3A_80] : memref<4x8192x1024xf32, #tpu.memory_space<hbm>> -> memref<1x16x1024xf32, #tpu.memory_space<hbm>>
    %dma_wait3A_82 = tpu.memref_squeeze %dma_wait3A_81 : memref<1x16x1024xf32, #tpu.memory_space<hbm>> -> memref<16x1024xf32, #tpu.memory_space<hbm>>
    %dma_wait3A_83 = arith.constant 0 : i32
    %dma_wait3A_84 = arith.constant 0 : i32
    %dma_wait3A_85 = tpu.memref_slice %arg5[%dma_wait3A, %dma_wait3A_83, %dma_wait3A_84] : memref<4x16x1024xf32, #tpu.memory_space<vmem>> -> memref<1x16x1024xf32, #tpu.memory_space<vmem>>
    %dma_wait3A_86 = tpu.memref_squeeze %dma_wait3A_85 : memref<1x16x1024xf32, #tpu.memory_space<vmem>> -> memref<16x1024xf32, #tpu.memory_space<vmem>>
    tpu.wait_dma2 semaphore(%dma_wait3A_79 : memref<!tpu.dma_semaphore, #tpu.memory_space<semaphore_mem>>) src(%dma_wait3A_86 : memref<16x1024xf32, #tpu.memory_space<vmem>>) dst(%dma_wait3A_82 : memref<16x1024xf32, #tpu.memory_space<hbm>>)
    %add3A_87 = arith.constant 240 : i32
    %add3A_88 = arith.addi %mul3A_2, %add3A_87 : i32
    %dma_wait3A_89 = arith.constant 1 : i32
    %dma_wait3A_90 = arith.constant 1 : i32
    %dma_wait3A_91 = arith.constant 1 : i32
    %dma_wait3A_92 = arith.constant 0 : i32
    %dma_wait3A_93 = arith.constant 0 : i32
    %dma_wait3A_94 = tpu.memref_slice %arg5[%dma_wait3A_89, %dma_wait3A_92, %dma_wait3A_93] : memref<4x16x1024xf32, #tpu.memory_space<vmem>> -> memref<1x16x1024xf32, #tpu.memory_space<vmem>>
    %dma_wait3A_95 = tpu.memref_squeeze %dma_wait3A_94 : memref<1x16x1024xf32, #tpu.memory_space<vmem>> -> memref<16x1024xf32, #tpu.memory_space<vmem>>
    %dma_wait3A_96 = arith.constant 0 : i32
    %dma_wait3A_97 = tpu.memref_slice %arg4[%dma_wait3A_90, %add3A_88, %dma_wait3A_96] : memref<4x8192x1024xf32, #tpu.memory_space<hbm>> -> memref<1x16x1024xf32, #tpu.memory_space<hbm>>
    %dma_wait3A_98 = tpu.memref_squeeze %dma_wait3A_97 : memref<1x16x1024xf32, #tpu.memory_space<hbm>> -> memref<16x1024xf32, #tpu.memory_space<hbm>>
    %dma_wait3A_99 = tpu.memref_slice %arg8[%dma_wait3A_91] : memref<4x!tpu.dma_semaphore, #tpu.memory_space<semaphore_mem>> -> memref<1x!tpu.dma_semaphore, #tpu.memory_space<semaphore_mem>>
    %dma_wait3A_100 = tpu.memref_squeeze %dma_wait3A_99 : memref<1x!tpu.dma_semaphore, #tpu.memory_space<semaphore_mem>> -> memref<!tpu.dma_semaphore, #tpu.memory_space<semaphore_mem>>
    %dma_wait3A_101 = arith.constant 0 : i32
    %dma_wait3A_102 = tpu.memref_slice %arg4[%dma_wait3A_90, %add3A_88, %dma_wait3A_101] : memref<4x8192x1024xf32, #tpu.memory_space<hbm>> -> memref<1x16x1024xf32, #tpu.memory_space<hbm>>
    %dma_wait3A_103 = tpu.memref_squeeze %dma_wait3A_102 : memref<1x16x1024xf32, #tpu.memory_space<hbm>> -> memref<16x1024xf32, #tpu.memory_space<hbm>>
    %dma_wait3A_104 = arith.constant 0 : i32
    %dma_wait3A_105 = arith.constant 0 : i32
    %dma_wait3A_106 = tpu.memref_slice %arg5[%dma_wait3A_89, %dma_wait3A_104, %dma_wait3A_105] : memref<4x16x1024xf32, #tpu.memory_space<vmem>> -> memref<1x16x1024xf32, #tpu.memory_space<vmem>>
    %dma_wait3A_107 = tpu.memref_squeeze %dma_wait3A_106 : memref<1x16x1024xf32, #tpu.memory_space<vmem>> -> memref<16x1024xf32, #tpu.memory_space<vmem>>
    tpu.wait_dma2 semaphore(%dma_wait3A_100 : memref<!tpu.dma_semaphore, #tpu.memory_space<semaphore_mem>>) src(%dma_wait3A_107 : memref<16x1024xf32, #tpu.memory_space<vmem>>) dst(%dma_wait3A_103 : memref<16x1024xf32, #tpu.memory_space<hbm>>)
    %add3A_108 = arith.constant 240 : i32
    %add3A_109 = arith.addi %mul3A_2, %add3A_108 : i32
    %dma_wait3A_110 = arith.constant 2 : i32
    %dma_wait3A_111 = arith.constant 2 : i32
    %dma_wait3A_112 = arith.constant 2 : i32
    %dma_wait3A_113 = arith.constant 0 : i32
    %dma_wait3A_114 = arith.constant 0 : i32
    %dma_wait3A_115 = tpu.memref_slice %arg5[%dma_wait3A_110, %dma_wait3A_113, %dma_wait3A_114] : memref<4x16x1024xf32, #tpu.memory_space<vmem>> -> memref<1x16x1024xf32, #tpu.memory_space<vmem>>
    %dma_wait3A_116 = tpu.memref_squeeze %dma_wait3A_115 : memref<1x16x1024xf32, #tpu.memory_space<vmem>> -> memref<16x1024xf32, #tpu.memory_space<vmem>>
    %dma_wait3A_117 = arith.constant 0 : i32
    %dma_wait3A_118 = tpu.memref_slice %arg4[%dma_wait3A_111, %add3A_109, %dma_wait3A_117] : memref<4x8192x1024xf32, #tpu.memory_space<hbm>> -> memref<1x16x1024xf32, #tpu.memory_space<hbm>>
    %dma_wait3A_119 = tpu.memref_squeeze %dma_wait3A_118 : memref<1x16x1024xf32, #tpu.memory_space<hbm>> -> memref<16x1024xf32, #tpu.memory_space<hbm>>
    %dma_wait3A_120 = tpu.memref_slice %arg8[%dma_wait3A_112] : memref<4x!tpu.dma_semaphore, #tpu.memory_space<semaphore_mem>> -> memref<1x!tpu.dma_semaphore, #tpu.memory_space<semaphore_mem>>
    %dma_wait3A_121 = tpu.memref_squeeze %dma_wait3A_120 : memref<1x!tpu.dma_semaphore, #tpu.memory_space<semaphore_mem>> -> memref<!tpu.dma_semaphore, #tpu.memory_space<semaphore_mem>>
    %dma_wait3A_122 = arith.constant 0 : i32
    %dma_wait3A_123 = tpu.memref_slice %arg4[%dma_wait3A_111, %add3A_109, %dma_wait3A_122] : memref<4x8192x1024xf32, #tpu.memory_space<hbm>> -> memref<1x16x1024xf32, #tpu.memory_space<hbm>>
    %dma_wait3A_124 = tpu.memref_squeeze %dma_wait3A_123 : memref<1x16x1024xf32, #tpu.memory_space<hbm>> -> memref<16x1024xf32, #tpu.memory_space<hbm>>
    %dma_wait3A_125 = arith.constant 0 : i32
    %dma_wait3A_126 = arith.constant 0 : i32
    %dma_wait3A_127 = tpu.memref_slice %arg5[%dma_wait3A_110, %dma_wait3A_125, %dma_wait3A_126] : memref<4x16x1024xf32, #tpu.memory_space<vmem>> -> memref<1x16x1024xf32, #tpu.memory_space<vmem>>
    %dma_wait3A_128 = tpu.memref_squeeze %dma_wait3A_127 : memref<1x16x1024xf32, #tpu.memory_space<vmem>> -> memref<16x1024xf32, #tpu.memory_space<vmem>>
    tpu.wait_dma2 semaphore(%dma_wait3A_121 : memref<!tpu.dma_semaphore, #tpu.memory_space<semaphore_mem>>) src(%dma_wait3A_128 : memref<16x1024xf32, #tpu.memory_space<vmem>>) dst(%dma_wait3A_124 : memref<16x1024xf32, #tpu.memory_space<hbm>>)
    %add3A_129 = arith.constant 240 : i32
    %add3A_130 = arith.addi %mul3A_2, %add3A_129 : i32
    %dma_wait3A_131 = arith.constant 3 : i32
    %dma_wait3A_132 = arith.constant 3 : i32
    %dma_wait3A_133 = arith.constant 3 : i32
    %dma_wait3A_134 = arith.constant 0 : i32
    %dma_wait3A_135 = arith.constant 0 : i32
    %dma_wait3A_136 = tpu.memref_slice %arg5[%dma_wait3A_131, %dma_wait3A_134, %dma_wait3A_135] : memref<4x16x1024xf32, #tpu.memory_space<vmem>> -> memref<1x16x1024xf32, #tpu.memory_space<vmem>>
    %dma_wait3A_137 = tpu.memref_squeeze %dma_wait3A_136 : memref<1x16x1024xf32, #tpu.memory_space<vmem>> -> memref<16x1024xf32, #tpu.memory_space<vmem>>
    %dma_wait3A_138 = arith.constant 0 : i32
    %dma_wait3A_139 = tpu.memref_slice %arg4[%dma_wait3A_132, %add3A_130, %dma_wait3A_138] : memref<4x8192x1024xf32, #tpu.memory_space<hbm>> -> memref<1x16x1024xf32, #tpu.memory_space<hbm>>
    %dma_wait3A_140 = tpu.memref_squeeze %dma_wait3A_139 : memref<1x16x1024xf32, #tpu.memory_space<hbm>> -> memref<16x1024xf32, #tpu.memory_space<hbm>>
    %dma_wait3A_141 = tpu.memref_slice %arg8[%dma_wait3A_133] : memref<4x!tpu.dma_semaphore, #tpu.memory_space<semaphore_mem>> -> memref<1x!tpu.dma_semaphore, #tpu.memory_space<semaphore_mem>>
    %dma_wait3A_142 = tpu.memref_squeeze %dma_wait3A_141 : memref<1x!tpu.dma_semaphore, #tpu.memory_space<semaphore_mem>> -> memref<!tpu.dma_semaphore, #tpu.memory_space<semaphore_mem>>
    %dma_wait3A_143 = arith.constant 0 : i32
    %dma_wait3A_144 = tpu.memref_slice %arg4[%dma_wait3A_132, %add3A_130, %dma_wait3A_143] : memref<4x8192x1024xf32, #tpu.memory_space<hbm>> -> memref<1x16x1024xf32, #tpu.memory_space<hbm>>
    %dma_wait3A_145 = tpu.memref_squeeze %dma_wait3A_144 : memref<1x16x1024xf32, #tpu.memory_space<hbm>> -> memref<16x1024xf32, #tpu.memory_space<hbm>>
    %dma_wait3A_146 = arith.constant 0 : i32
    %dma_wait3A_147 = arith.constant 0 : i32
    %dma_wait3A_148 = tpu.memref_slice %arg5[%dma_wait3A_131, %dma_wait3A_146, %dma_wait3A_147] : memref<4x16x1024xf32, #tpu.memory_space<vmem>> -> memref<1x16x1024xf32, #tpu.memory_space<vmem>>
    %dma_wait3A_149 = tpu.memref_squeeze %dma_wait3A_148 : memref<1x16x1024xf32, #tpu.memory_space<vmem>> -> memref<16x1024xf32, #tpu.memory_space<vmem>>
    tpu.wait_dma2 semaphore(%dma_wait3A_142 : memref<!tpu.dma_semaphore, #tpu.memory_space<semaphore_mem>>) src(%dma_wait3A_149 : memref<16x1024xf32, #tpu.memory_space<vmem>>) dst(%dma_wait3A_145 : memref<16x1024xf32, #tpu.memory_space<hbm>>)
    return
  }
}

</mosaic_0001>

<sc_bundles>
// kernel: kernel.3.cloned.1.call-start
scs
__scs_entry_jumppad:
0x0: {  	(pc) =	sbr.rel $0x88, $3  }
0x1: {  	(tag) =	ssettag $0x0;
	lr =	simm.s32 $0x1  }
0x2: {  	[smem:$0x3F9F] =	sst lr;
	_ =	strace $0xD0000000  }
0x3: {  	_ = 	snop  }
0x4: {  	_ = 	snop  }
0x5: {  	_ = 	snop  }
0x6: {  	_ = 	snop  }
0x7: {  	_ = 	snop  }
__scs_overlays_trampoline_lowered:
0x8: {  	[smem:$0x3FAE] =	sst s0  }
0x9: {  	[smem:$0x3FAF] =	sst s1  }
0xa: {  	[smem:$0x3FB0] =	sst s2  }
0xb: {  	[smem:$0x3FB1] =	sst s3  }
0xc: {  	[smem:$0x3FB2] =	sst s4  }
0xd: {  	[smem:$0x3FB3] =	sst s5  }
0xe: {  	[smem:$0x3FB4] =	sst s6  }
0xf: {  	[smem:$0x3FB5] =	sst s7  }
0x10: {  	[smem:$0x3FB6] =	sst s8  }
0x11: {  	[smem:$0x3FB7] =	sst s9;
	s0 =	simm.s32 @!p0 $0x0  }
0x12: {  	s1 =	sld [smem:$0x3F9D];
	s0 =	simm.s32 @p0 $0x1  }
0x13: {  	[smem:$0x3FB8] =	sst s0;
	s0 =	simm.s32 @!p1 $0x0  }
0x14: {  	s2 =	sld [smem:$0x3F9C];
	s0 =	simm.s32 @p1 $0x1  }
0x15: {  	[smem:$0x3FB9] =	sst s0;
	s0 =	simm.s32 @!p2 $0x0  }
0x16: {  	s3 =	sld [smem:$0x3FDB];
	s0 =	simm.s32 @p2 $0x1  }
0x17: {  	s4 =	simm.s32 $0x1BF5;
	[smem:$0x3FBB] =	sst s0  }
0x18: {  	s0 =	sld [smem:$0x3F9E];
	_ =	swait.ge [sflag:s4], $0x0  }
0x19: {  	s7 =	sld [smem:$0x3F9F]  }
0x1a: {  	s8 =	sadd.s32 $0xFFFFE003, lr  }
0x1b: {  	s9 =	sadd.s32 $0xFFFFFEF7, lr;
	s5 =	simm.s32 $0xFFFFFFFF;
	p2 =	slt.u32 s8, $0xFFFFF086  }
0x1c: {  	p1 =	slt.u32 s9, $0xF7A;
	s5 =	simm.s32 @!p2 $0x0  }
0x1d: {  	s5 =	simm.s32 @p1 $0x1;
	p0 =	seq.s32 s7, s2  }
0x1e: {  	s7 =	smul.u32 @!p0 $0xF7A, s2;
	p2 =	seq.s32 @!p0 s5, $0x0  }
0x1f: {  	s9 =	smul.u32 $0xF7A, s1;
	s8 =	simm.s32 @!p0 $0x1BF5;
	p2 =	por !p2, p0  }
0x20: {  	[sflag:s8] =	ssyncset.s32 @!p0 $0xFFFFF086;
	s6 =	sadd.s32 @!p0 s3, s7;
	s7 =	simm.s32 @!p0 $0x108  }
0x21: {  	s3 =	sadd.s32 s3, s9;
	s6 =	sadd.s32 @!p0 $0x88, s6;
	s7 =	simm.s32 @p2 $0x1082  }
0x22: {  	[simem:s7], [sflag:s8] =	dma.local @!p0 [hbm:s6], $0xF7A  }
0x23: {  	s9 =	sor.u32 $0xD0000000, s2;
	s6 =	simm.s32 $0x108;
	_ =	swait.ge @!p0 [sflag:s8], $0x0  }
0x24: {  	s3 =	sadd.s32 $0x88, s3;
	s6 =	simm.s32 @!p1 $0x1082;
	[sflag:s4] =	ssyncset.s32 $0xFFFFF086  }
0x25: {  	[simem:s6], [sflag:s4] =	dma.local [hbm:s3], $0xF7A  }
0x26: {  	[smem:$0x3F9F] =	sst s1;
	(tag) =	ssettag s2;
	_ =	strace s9  }
0x27: {  	s1 =	sld [smem:$0x3FAF]  }
0x28: {  	s2 =	sld [smem:$0x3FB0]  }
0x29: {  	s4 =	sld [smem:$0x3FB2]  }
0x2a: {  	p0 =	seq.s32 s5, $0x0;
	s5 =	sld [smem:$0x3FB3]  }
0x2b: {  	s6 =	sld [smem:$0x3FB4]  }
0x2c: {  	s7 =	sld [smem:$0x3FB5]  }
0x2d: {  	s3 =	simm.s32 $0x108;
	s8 =	sld [smem:$0x3FB6]  }
0x2e: {  	s3 =	simm.s32 @!p0 $0x1082;
	s9 =	sld [smem:$0x3FB7]  }
0x2f: {  	lr =	sadd.s32 s0, s3;
	s0 =	sld [smem:$0x3FAE]  }
0x30: {  	s3 =	sld [smem:$0x3FB1]  }
0x31: {  	[smem:$0x3FBA] =	sst s10  }
0x32: {  	s10 =	sld [smem:$0x3FB8];
	_ =	sdelay $0x3  }
0x33: {  	p0 =	seq.s32 s10, $0x1;
	s10 =	sld [smem:$0x3FBA];
	_ =	sdelay $0x3  }
0x34: {  	[smem:$0x3FBA] =	sst s10  }
0x35: {  	s10 =	sld [smem:$0x3FB9];
	_ =	sdelay $0x3  }
0x36: {  	p1 =	seq.s32 s10, $0x1;
	s10 =	sld [smem:$0x3FBA];
	_ =	sdelay $0x3  }
0x37: {  	[smem:$0x3FBA] =	sst s10  }
0x38: {  	s10 =	sld [smem:$0x3FBB]  }
0x39: {  	_ = 	snop;
	(pc) =	sbr.ind lr, $3  }
0x3a: {  	_ = 	snop  }
0x3b: {  	_ = 	snop  }
0x3c: {  	p2 =	seq.s32 s10, $0x1;
	s10 =	sld [smem:$0x3FBA]  }
0x3d: {  	_ =	shalt  }
0x3e: {  	_ =	shalt  }
0x3f: {  	_ =	shalt  }
0x40: {  	_ =	shalt  }
0x41: {  	_ =	shalt  }
0x42: {  	_ =	shalt  }
0x43: {  	_ =	shalt  }
0x44: {  	_ =	shalt  }
0x45: {  	_ =	shalt  }
0x46: {  	_ =	shalt  }
0x47: {  	_ =	shalt  }
0x48: {  	_ =	shalt  }
0x49: {  	_ =	shalt  }
0x4a: {  	_ =	shalt  }
0x4b: {  	_ =	shalt  }
0x4c: {  	_ =	shalt  }
0x4d: {  	_ =	shalt  }
0x4e: {  	_ =	shalt  }
0x4f: {  	_ =	shalt  }
0x50: {  	_ =	shalt  }
0x51: {  	_ =	shalt  }
0x52: {  	_ =	shalt  }
0x53: {  	_ =	shalt  }
0x54: {  	_ =	shalt  }
0x55: {  	_ =	shalt  }
0x56: {  	_ =	shalt  }
0x57: {  	_ =	shalt  }
0x58: {  	_ =	shalt  }
0x59: {  	_ =	shalt  }
0x5a: {  	_ =	shalt  }
0x5b: {  	_ =	shalt  }
0x5c: {  	_ =	shalt  }
0x5d: {  	_ =	shalt  }
0x5e: {  	_ =	shalt  }
0x5f: {  	_ =	shalt  }
0x60: {  	_ =	shalt  }
0x61: {  	_ =	shalt  }
0x62: {  	_ =	shalt  }
0x63: {  	_ =	shalt  }
0x64: {  	_ =	shalt  }
0x65: {  	_ =	shalt  }
0x66: {  	_ =	shalt  }
0x67: {  	_ =	shalt  }
0x68: {  	_ =	shalt  }
0x69: {  	_ =	shalt  }
0x6a: {  	_ =	shalt  }
0x6b: {  	_ =	shalt  }
0x6c: {  	_ =	shalt  }
0x6d: {  	_ =	shalt  }
0x6e: {  	_ =	shalt  }
0x6f: {  	_ =	shalt  }
0x70: {  	_ =	shalt  }
0x71: {  	_ =	shalt  }
0x72: {  	_ =	shalt  }
0x73: {  	_ =	shalt  }
0x74: {  	_ =	shalt  }
0x75: {  	_ =	shalt  }
0x76: {  	_ =	shalt  }
0x77: {  	_ =	shalt  }
0x78: {  	_ =	shalt  }
0x79: {  	_ =	shalt  }
0x7a: {  	_ =	shalt  }
0x7b: {  	_ =	shalt  }
0x7c: {  	_ =	shalt  }
0x7d: {  	_ =	shalt  }
0x7e: {  	_ =	shalt  }
0x7f: {  	_ =	shalt  }
0x80: {  	_ =	shalt  }
0x81: {  	_ =	shalt  }
0x82: {  	_ =	shalt  }
0x83: {  	_ =	shalt  }
0x84: {  	_ =	shalt  }
0x85: {  	_ =	shalt  }
0x86: {  	_ =	shalt  }
0x87: {  	_ =	shalt  }
.Lfunc_end0:
.L_simem_size_0:
called_computation_lowered:
.L_overlay_start_0:
0x88: {  	s2 =	sld [smem:$0x3FD9]  }
0x89: {  	s3 =	sld [smem:$0x3FFE];
	_ =	sdelay $0x1  }
0x8a: {  	s1 =	srdreg.scid  }
0x8b: {  	s0 =	sand.u32 $0x1, s1  }
0x8c: {  	s18 =	sshll.u32 s0, $0xA;
	s2 =	sadd.s32 s3, s2  }
0x8d: {  	s2 =	sadd.s32 s2, s18  }
0x8e: {  	[smem:$0x3FC6] =	sst s2  }
0x8f: {  	_ = 	snop  }
0x90: {  	s2 =	sld [smem:$0x3FC9]  }
0x91: {  	s19 =	sld [smem:$0x3FC8]  }
0x92: {  	s4 =	sld [smem:$0x3FD0];
	(tm) =	ssettm $0x1  }
0x93: {  	s5 =	sld [smem:$0x3FFB];
	_ =	sdelay $0x3  }
0x94: {  	_ =	strace s5  }
0x95: {  	s5 =	sld [smem:$0x3FFC];
	_ =	sdelay $0x3  }
0x96: {  	_ =	strace s5  }
0x97: {  	s5 =	sld [smem:$0x3FFD];
	_ =	sdelay $0x3  }
0x98: {  	_ =	strace s5  }
0x99: {  	_ =	strace $0x8FFFFFFF  }
0x9a: {  	s20 =	sld [smem:$0x3FDB];
	_ =	sdelay $0x1  }
0x9b: {  	s6 =	simm.s32 $_scs_section_size  }
0x9c: {  	s7 =	simm.s32 $_size__tile_overlayer_lowered;
	s8 =	simm.s32 $_tile_overlayer_lowered  }
0x9d: {  	s23 =	simm.s32 $0x1BFF;
	s22 =	sshll.u32 s8, $0x1;
	s5 =	sadd.s32 s6, s20  }
0x9e: {  	s9 =	simm.s32 $0x0;
	s21 =	sshll.u32 s7, $0x1;
	s7 =	sadd.s32 s22, s5  }
0x9f: {  	[timem:s9], [sflag:s23] =	dma.local [hbm:s7], s21  }
0xa0: {  	_ =	swait.ge [sflag:s23], s21  }
0xa1: {  	s6 =	ssub.s32 $0x0, s21;
	[sflag:s23] =	ssyncset.done $0x0  }
0xa2: {  	[sflag:s23] =	ssyncadd.s32 s6;
	_ =	sdelay $0x1  }
0xa3: {  	s24 =	simm.s32 $0x1B8B  }
0xa4: {  	_ =	swait.ge [sflag:s24], $0x1  }
0xa5: {  	[sflag:s24] =	ssyncset.done $0x0  }
0xa6: {  	s25 =	simm.s32 $0x1B8E;
	[sflag:s24] =	ssyncadd.s32 $0xFFFFFFFF  }
0xa7: {  	s26 =	simm.s32 $execute0_lowered;
	[smem:$0x3FD2] =	sst s25  }
0xa8: {  	s6 =	sshll.u32 s26, $0x1;
	_ =	strace $0x80000046;
	[dreg:$0x1] =	wrdreg $0xFFFFFFFF  }
0xa9: {  	s28 =	simm.s32 $_size_execute0_lowered;
	s5 =	sadd.s32 s5, s6;
	[dreg:$0x0] =	wrdreg $0x0  }
0xaa: {  	s6 =	sshll.u32 s28, $0x1;
	[dreg:$0x2] =	wrdreg s5  }
0xab: {  	[dreg:$0x3] =	wrdreg s6  }
0xac: {  	[dreg:$0x4] =	wrdreg $0xC0  }
0xad: {  	_ =	task [dreg:s9], $0x5FFFF  }
0xae: {  	[dreg:$0x1] =	wrdreg $0xFFFFFFFF  }
0xaf: {  	[dreg:$0x0] =	wrdreg $0x60  }
0xb0: {  	[dreg:$0x2] =	wrdreg s2  }
0xb1: {  	[dreg:$0x3] =	wrdreg s19  }
0xb2: {  	[dreg:$0x4] =	wrdreg s4  }
0xb3: {  	[dreg:$0x5] =	wrdreg $0x9  }
0xb4: {  	_ =	task.clear_ibuf [dreg:s9], $0x6FFFF;
	_ =	strace $0x90000046  }
0xb5: {  	s29 =	simm.s32 $0x9;
	_ =	strace $0x80000048  }
0xb6: {  	_ =	swait.ge [sflag:s29], $0x1  }
0xb7: {  	[sflag:s29] =	ssyncadd.s32 $0xFFFFFFFF  }
0xb8: {  	_ =	strace $0x90000048  }
0xb9: {  	_ =	sfence  }
0xba: {  	s30 =	sld [smem:$0x0];
	_ =	sdelay $0x2  }
0xbb: {  	s31 =	sshll.u32 s1, $0xD;
	s1 =	sshrl.u32 s1, $0x2  }
0xbc: {  	s3 =	sand.u32 $0x4000, s31;
	s1 =	sadd.s32 s1, s30  }
0xbd: {  	s0 =	sor.u32 s3, s0;
	s1 =	sshll.u32 s1, $0x11  }
0xbe: {  	s0 =	sor.u32 s1, s0  }
0xbf: {  	s0 =	sadd.s32 $0x8F2B, s0  }
0xc0: {  	[sflag:s0] =	ssyncadd.remote.s32 $0x1  }
0xc1: {  	_ =	sfence.sel $0xFFFF  }
0xc2: {  	[dreg:$0x0] =	wrdreg $0xFFFFFFFF;
	(pc) =	sbr.abs _section_cstart, $3  }
0xc3: {  	[dreg:$0x1] =	wrdreg $0xFFFFFFFF  }
0xc4: {  	_ =	task.clear_ibuf [dreg:s9], $0x2FFFF;
	_ =	strace $0x9FFFFFFF  }
0xc5: {  	(tm) =	ssettm $0x7FFFFFFF  }
tec
execute0_lowered:
.L_overlay_start_1:
0x0: {  	(tag) =	ssettag $0x1  }
0x1: {  	s1 =	rddreg [dreg:$0x0]  }
0x2: {  	s0 =	rddreg [dreg:$0x1]  }
0x3: {  	s3 =	rddreg [dreg:$0x2];
	s2 =	srdreg.scid  }
0x4: {  	s5 =	stileid.u32;
	s4 =	simm.s32 $0x0;
	s13 =	simm.s32 $0x8000  }
0x5: {  	s14 =	simm.s32 $0x1;
	s15 =	simm.s32 $0xC000;
	s16 =	simm.s32 $0x2  }
0x6: {  	s17 =	simm.s32 $0x3;
	s18 =	simm.s32 $0x4;
	s2 =	sand.u32 $0x1, s2  }
0x7: {  	s10 =	simm.s32 $0x0;
	s6 =	sshll.u32 s2, $0xF;
	s2 =	ssub.s32 $0x2, s2  }
0x8: {  	s5 =	sshll.u32 s5, $0x10;
	[smem:$0x7FF] =	sst s4;
	s7 =	sshrl.u32 s2, $0x1  }
0x9: {  	s9 =	sadd.s32 $0x100000, s3;
	s5 =	sor.u32 s6, s5;
	s2 =	ssub.s32 s2, s7  }
0xa: {  	_ =	strace $0x80000047;
	s6 =	sadd.s32 s1, s5;
	s31 =	smax.u32 s2, $0x1  }
0xb: {  	s7 =	sadd.s32 s0, s5;
	s8 =	sadd.s32 $0x100000, s6;
	[dreg:$0x4] =	wrdreg s31  }
.LBB2_1:
0xc: {  	s0 =	simm.s32 $0x10000  }
0xd: {  	[tilespmem:s0], [sflag:$0x9] =	stream.linear.gather [hbm4b:s7+s4], $0x4000, $0x38;
	[tilespmem:$0x18000] =	vst v63  }
0xe: {  	_ = 	snop  }
0xf: {  	[tilespmem:s4], [sflag:$0x1] =	stream.linear.gather [hbm4b:s6+s4], $0x4000, $0x38;
	[tilespmem:$0x18000] =	vst v63  }
0x10: {  	[dreg:$0x5] =	wrdreg s10;
	s31 =	simm.s32 $0x4000;
	s24 =	simm.s32 $0x0  }
0x11: {  	[tilespmem:s31], [sflag:$0x2] =	stream.linear.gather [hbm4b:s8+s4], $0x4000, $0x38;
	[tilespmem:$0x18000] =	vst v63  }
.LBB2_2:
0x12: {  	p1 =	seq.s32 s24, $0x0  }
0x13: {  	s2 =	sshll.u32 s24, $0xB;
	s0 =	simm.s32 @!p1 $0x7  }
0x14: {  	s30 =	sadd.s32 s5, s2;
	_ =	swait.ge @!p1 [sflag:s0], $0x4000  }
0x15: {  	p0 =	seq.s32 s24, $0xF;
	s26 =	sor.u32 $0x200000, s30;
	[sflag:s0] =	ssyncset.done @!p1 $0x0  }
0x16: {  	s11 =	sadd.s32 s1, s26;
	[sflag:s0] =	ssyncadd.s32 @!p1 $0xFFFFC000;
	s0 =	sand.u32 $0x1, s24  }
0x17: {  	[tilespmem:s13], [sflag:$0x3] =	stream.linear.gather [hbm4b:s11+s4], $0x4000, $0x38;
	[tilespmem:$0x18000] =	vst v63  }
0x18: {  	s19 =	simm.s32 @!p0 $0x0;
	s24 =	sadd.s32 $0x1, s24;
	s2 =	sxor.u32 @!p0 $0x1, s0  }
0x19: {  	s28 =	sshll.u32 @!p0 s24, $0xB;
	s12 =	sadd.s32 $0x9, s0;
	s10 =	sshll.u32 @!p0 s2, $0xE  }
0x1a: {  	s2 =	sadd.s32 @!p0 $0x9, s2;
	s11 =	sadd.s32 @!p0 s28, s7;
	s10 =	sor.u32 @!p0 $0x10000, s10  }
0x1b: {  	[tilespmem:s10], [sflag:s2] =	stream.linear.gather @!p0 [hbm4b:s11+s19], $0x4000, $0x38;
	[tilespmem:$0x18000] =	vst v63  }
0x1c: {  	s0 =	sshll.u32 s0, $0xE;
	_ =	swait.ge [sflag:s12], $0x4000  }
0x1d: {  	s29 =	simm.s32 $0x0;
	s25 =	sor.u32 $0x10000, s0;
	[sflag:s12] =	ssyncset.done $0x0  }
0x1e: {  	s0 =	simm.s32 $0x0;
	s19 =	sand.u32 $0x2000, s29;
	[sflag:s12] =	ssyncadd.s32 $0xFFFFC000  }
0x1f: {  	s20 =	sand.u32 $0x1C00, s0;
	s21 =	sadd.s32 s19, s25;
	_ =	swait.ge [sflag:s14], $0x4000  }
0x20: {  	s22 =	sand.u32 $0x380, s0;
	s11 =	sadd.s32 s20, s21;
	[sflag:s14] =	ssyncset.done $0x0  }
0x21: {  	s11 =	sadd.s32 s22, s11;
	[sflag:s14] =	ssyncadd.s32 $0xFFFFC000  }
0x22: {  	v2 =	vld [tilespmem:s11+$0x70]  }
0x23: {  	v5 =	vld [tilespmem:s11+$0x0]  }
0x24: {  	v6 =	vld [tilespmem:s11+$0x10]  }
0x25: {  	v0 =	vld [tilespmem:s11+$0x20]  }
0x26: {  	s2 =	sor.u32 s20, s19;
	v1 =	vld [tilespmem:s11+$0x30]  }
0x27: {  	s2 =	sor.u32 s22, s2;
	v4 =	vld [tilespmem:s11+$0x40]  }
0x28: {  	s23 =	sor.u32 $0x70, s2;
	v3 =	vld [tilespmem:s11+$0x60]  }
0x29: {  	[tilespmem:s23+$0x0] =	vst.add.f32.msk $0xffff, v2  }
0x2a: {  	s21 =	sor.u32 $0x10, s2;
	v2 =	vld [tilespmem:s11+$0x50]  }
0x2b: {  	s19 =	sor.u32 $0x20, s2;
	s20 =	sor.u32 $0x30, s2;
	s10 =	sor.u32 $0x40, s2;
	[tilespmem:s2+$0x0] =	vst.add.f32.msk $0xffff, v5  }
0x2c: {  	s31 =	sor.u32 $0x50, s2;
	s11 =	sor.u32 $0x60, s2;
	[tilespmem:s21+$0x0] =	vst.add.f32.msk $0xffff, v6;
	s2 =	simm.s32 $0x0  }
.LBB2_3:
0x2d: {  	s29 =	sadd.s32 $0x80, s29;
	[tilespmem:s19+$0x0] =	vst.add.f32.msk $0xffff, v0  }
0x2e: {  	s0 =	sadd.s32 $0x400, s0;
	s19 =	sand.u32 $0x2000, s29;
	p2 =	slt.u32 s29, $0x3F80;
	[tilespmem:s20+$0x0] =	vst.add.f32.msk $0xffff, v1  }
0x2f: {  	s2 =	sadd.s32 $0x10, s2;
	s20 =	sand.u32 $0x1C00, s0;
	s21 =	sadd.s32 s19, s25;
	[tilespmem:s10+$0x0] =	vst.add.f32.msk $0xffff, v4  }
0x30: {  	s10 =	sand.u32 $0x380, s2;
	s21 =	sadd.s32 s20, s21;
	[tilespmem:s31+$0x0] =	vst.add.f32.msk $0xffff, v2  }
0x31: {  	s21 =	sadd.s32 s10, s21;
	[tilespmem:s11+$0x0] =	vst.add.f32.msk $0xffff, v3  }
0x32: {  	v2 =	vld [tilespmem:s21+$0x70]  }
0x33: {  	v5 =	vld [tilespmem:s21+$0x0]  }
0x34: {  	s11 =	sor.u32 s20, s19;
	v6 =	vld [tilespmem:s21+$0x10]  }
0x35: {  	s22 =	sor.u32 s10, s11;
	v0 =	vld [tilespmem:s21+$0x20]  }
0x36: {  	s23 =	sor.u32 $0x10, s22;
	s19 =	sor.u32 $0x20, s22;
	s11 =	sor.u32 $0x70, s22;
	v1 =	vld [tilespmem:s21+$0x30]  }
0x37: {  	s20 =	sor.u32 $0x30, s22;
	s10 =	sor.u32 $0x40, s22;
	s31 =	sor.u32 $0x50, s22;
	[tilespmem:s11+$0x0] =	vst.add.f32.msk $0xffff, v2  }
.Ltmp0:
0x38: {  	s11 =	sor.u32 $0x60, s22;
	v4 =	vld [tilespmem:s21+$0x40];
	(pc) =	sbr.rel @p2 .LBB2_3-.Ltmp0, $4  }
0x39: {  	v2 =	vld [tilespmem:s21+$0x50]  }
0x3a: {  	v3 =	vld [tilespmem:s21+$0x60]  }
0x3b: {  	[tilespmem:s22+$0x0] =	vst.add.f32.msk $0xffff, v5  }
0x3c: {  	[tilespmem:s23+$0x0] =	vst.add.f32.msk $0xffff, v6  }
0x3d: {  	[tilespmem:s19+$0x0] =	vst.add.f32.msk $0xffff, v0  }
0x3e: {  	[tilespmem:s20+$0x0] =	vst.add.f32.msk $0xffff, v1  }
0x3f: {  	[tilespmem:s10+$0x0] =	vst.add.f32.msk $0xffff, v4  }
0x40: {  	[tilespmem:s31+$0x0] =	vst.add.f32.msk $0xffff, v2  }
0x41: {  	s0 =	sadd.s32 s3, s30;
	[tilespmem:s11+$0x0] =	vst.add.f32.msk $0xffff, v3  }
0x42: {  	[hbm4b:s0+s4] =	stream.linear.scatter [tilespmem:s4], [sflag:$0x5], $0x4000, $0x38;
	[tilespmem:$0x18000] =	vst v63  }
0x43: {  	s0 =	simm.s32 @!p1 $0x8  }
0x44: {  	s29 =	sor.u32 $0x300000, s30;
	_ =	swait.ge @!p1 [sflag:s0], $0x4000  }
0x45: {  	s19 =	sadd.s32 s1, s29;
	[sflag:s0] =	ssyncset.done @!p1 $0x0  }
0x46: {  	s31 =	simm.s32 $0x0;
	[sflag:s0] =	ssyncadd.s32 @!p1 $0xFFFFC000;
	s0 =	simm.s32 $0x0  }
0x47: {  	[tilespmem:s15], [sflag:$0x4] =	stream.linear.gather [hbm4b:s19+s31], $0x4000, $0x38;
	[tilespmem:$0x18000] =	vst v63  }
0x48: {  	s2 =	sand.u32 $0x2000, s0  }
0x49: {  	s20 =	sand.u32 $0x1C00, s31;
	_ =	swait.ge [sflag:s16], $0x4000;
	s21 =	sadd.s32 s2, s25  }
0x4a: {  	s22 =	sand.u32 $0x380, s31;
	[sflag:s16] =	ssyncset.done $0x0;
	s11 =	sadd.s32 s20, s21  }
0x4b: {  	[sflag:s16] =	ssyncadd.s32 $0xFFFFC000;
	s11 =	sadd.s32 s22, s11  }
0x4c: {  	v2 =	vld [tilespmem:s11+$0x70]  }
0x4d: {  	v5 =	vld [tilespmem:s11+$0x0]  }
0x4e: {  	v6 =	vld [tilespmem:s11+$0x10]  }
0x4f: {  	v0 =	vld [tilespmem:s11+$0x20]  }
0x50: {  	s2 =	sor.u32 s20, s2;
	v1 =	vld [tilespmem:s11+$0x30]  }
0x51: {  	s2 =	sor.u32 s22, s2;
	v3 =	vld [tilespmem:s11+$0x40]  }
0x52: {  	s23 =	sor.u32 $0x4070, s2;
	v4 =	vld [tilespmem:s11+$0x60]  }
0x53: {  	[tilespmem:s23+$0x0] =	vst.add.f32.msk $0xffff, v2  }
0x54: {  	s19 =	sor.u32 $0x4000, s2;
	s22 =	sor.u32 $0x4010, s2;
	v2 =	vld [tilespmem:s11+$0x50]  }
0x55: {  	s21 =	sor.u32 $0x4020, s2;
	s20 =	sor.u32 $0x4030, s2;
	s10 =	sor.u32 $0x4040, s2;
	[tilespmem:s19+$0x0] =	vst.add.f32.msk $0xffff, v5  }
0x56: {  	s19 =	sor.u32 $0x4050, s2;
	s11 =	sor.u32 $0x4060, s2;
	[tilespmem:s22+$0x0] =	vst.add.f32.msk $0xffff, v6;
	s2 =	simm.s32 $0x0  }
.LBB2_5:
0x57: {  	s0 =	sadd.s32 $0x80, s0;
	[tilespmem:s21+$0x0] =	vst.add.f32.msk $0xffff, v0  }
0x58: {  	s31 =	sadd.s32 $0x400, s31;
	s21 =	sand.u32 $0x2000, s0;
	p1 =	slt.u32 s0, $0x3F80;
	[tilespmem:s20+$0x0] =	vst.add.f32.msk $0xffff, v1  }
0x59: {  	s2 =	sadd.s32 $0x10, s2;
	s20 =	sand.u32 $0x1C00, s31;
	s22 =	sadd.s32 s21, s25;
	[tilespmem:s10+$0x0] =	vst.add.f32.msk $0xffff, v3  }
0x5a: {  	s10 =	sand.u32 $0x380, s2;
	s22 =	sadd.s32 s20, s22;
	[tilespmem:s19+$0x0] =	vst.add.f32.msk $0xffff, v2  }
0x5b: {  	s22 =	sadd.s32 s10, s22;
	[tilespmem:s11+$0x0] =	vst.add.f32.msk $0xffff, v4  }
0x5c: {  	v2 =	vld [tilespmem:s22+$0x70]  }
0x5d: {  	v5 =	vld [tilespmem:s22+$0x0]  }
0x5e: {  	s11 =	sor.u32 s20, s21;
	v6 =	vld [tilespmem:s22+$0x10]  }
0x5f: {  	s11 =	sor.u32 s10, s11;
	v0 =	vld [tilespmem:s22+$0x20]  }
0x60: {  	s23 =	sor.u32 $0x4000, s11;
	s12 =	sor.u32 $0x4010, s11;
	s19 =	sor.u32 $0x4070, s11;
	v1 =	vld [tilespmem:s22+$0x30]  }
0x61: {  	s21 =	sor.u32 $0x4020, s11;
	s20 =	sor.u32 $0x4030, s11;
	s10 =	sor.u32 $0x4040, s11;
	[tilespmem:s19+$0x0] =	vst.add.f32.msk $0xffff, v2  }
.Ltmp1:
0x62: {  	s19 =	sor.u32 $0x4050, s11;
	s11 =	sor.u32 $0x4060, s11;
	v3 =	vld [tilespmem:s22+$0x40];
	(pc) =	sbr.rel @p1 .LBB2_5-.Ltmp1, $4  }
0x63: {  	v2 =	vld [tilespmem:s22+$0x50]  }
0x64: {  	v4 =	vld [tilespmem:s22+$0x60]  }
0x65: {  	[tilespmem:s23+$0x0] =	vst.add.f32.msk $0xffff, v5  }
0x66: {  	[tilespmem:s12+$0x0] =	vst.add.f32.msk $0xffff, v6  }
0x67: {  	[tilespmem:s21+$0x0] =	vst.add.f32.msk $0xffff, v0  }
0x68: {  	[tilespmem:s20+$0x0] =	vst.add.f32.msk $0xffff, v1  }
0x69: {  	[tilespmem:s10+$0x0] =	vst.add.f32.msk $0xffff, v3  }
0x6a: {  	[tilespmem:s19+$0x0] =	vst.add.f32.msk $0xffff, v2  }
0x6b: {  	s0 =	sadd.s32 s30, s9;
	s2 =	simm.s32 $0x4000;
	[tilespmem:s11+$0x0] =	vst.add.f32.msk $0xffff, v4  }
0x6c: {  	[hbm4b:s0+s4] =	stream.linear.scatter [tilespmem:s2], [sflag:$0x6], $0x4000, $0x38;
	[tilespmem:$0x18000] =	vst v63  }
0x6d: {  	s0 =	simm.s32 @!p0 $0x5  }
0x6e: {  	_ =	swait.ge @!p0 [sflag:s0], $0x4000  }
0x6f: {  	s30 =	simm.s32 $0x0;
	[sflag:s0] =	ssyncset.done @!p0 $0x0  }
0x70: {  	s2 =	simm.s32 @!p0 $0x0;
	[sflag:s0] =	ssyncadd.s32 @!p0 $0xFFFFC000;
	s0 =	sadd.s32 @!p0 s28, s6  }
0x71: {  	[tilespmem:s2], [sflag:$0x1] =	stream.linear.gather @!p0 [hbm4b:s0+s2], $0x4000, $0x38;
	[tilespmem:$0x18000] =	vst v63  }
0x72: {  	s21 =	sand.u32 $0x2000, s30;
	s0 =	simm.s32 $0x0  }
0x73: {  	s23 =	sadd.s32 s21, s25;
	_ =	swait.ge [sflag:s17], $0x4000;
	s22 =	sand.u32 $0x1C00, s0  }
0x74: {  	s12 =	sand.u32 $0x380, s0;
	[sflag:s17] =	ssyncset.done $0x0;
	s11 =	sadd.s32 s22, s23  }
0x75: {  	[sflag:s17] =	ssyncadd.s32 $0xFFFFC000;
	s11 =	sadd.s32 s12, s11  }
0x76: {  	v2 =	vld [tilespmem:s11+$0x70]  }
0x77: {  	v5 =	vld [tilespmem:s11+$0x0]  }
0x78: {  	v6 =	vld [tilespmem:s11+$0x10]  }
0x79: {  	v0 =	vld [tilespmem:s11+$0x20]  }
0x7a: {  	s2 =	sor.u32 s22, s21;
	v1 =	vld [tilespmem:s11+$0x30]  }
0x7b: {  	s2 =	sor.u32 s12, s2;
	v3 =	vld [tilespmem:s11+$0x40]  }
0x7c: {  	s31 =	sor.u32 $0x8070, s2;
	v4 =	vld [tilespmem:s11+$0x60]  }
0x7d: {  	[tilespmem:s31+$0x0] =	vst.add.f32.msk $0xffff, v2  }
0x7e: {  	s12 =	sor.u32 $0x8000, s2;
	s22 =	sor.u32 $0x8010, s2;
	v2 =	vld [tilespmem:s11+$0x50]  }
0x7f: {  	s21 =	sor.u32 $0x8020, s2;
	s20 =	sor.u32 $0x8030, s2;
	s10 =	sor.u32 $0x8040, s2;
	[tilespmem:s12+$0x0] =	vst.add.f32.msk $0xffff, v5  }
0x80: {  	s19 =	sor.u32 $0x8050, s2;
	s11 =	sor.u32 $0x8060, s2;
	[tilespmem:s22+$0x0] =	vst.add.f32.msk $0xffff, v6;
	s2 =	simm.s32 $0x0  }
.LBB2_7:
0x81: {  	s30 =	sadd.s32 $0x80, s30;
	[tilespmem:s21+$0x0] =	vst.add.f32.msk $0xffff, v0  }
0x82: {  	s0 =	sadd.s32 $0x400, s0;
	s12 =	sand.u32 $0x2000, s30;
	p1 =	slt.u32 s30, $0x3F80;
	[tilespmem:s20+$0x0] =	vst.add.f32.msk $0xffff, v1  }
0x83: {  	s2 =	sadd.s32 $0x10, s2;
	s20 =	sand.u32 $0x1C00, s0;
	s21 =	sadd.s32 s12, s25;
	[tilespmem:s10+$0x0] =	vst.add.f32.msk $0xffff, v3  }
0x84: {  	s10 =	sand.u32 $0x380, s2;
	s21 =	sadd.s32 s20, s21;
	[tilespmem:s19+$0x0] =	vst.add.f32.msk $0xffff, v2  }
0x85: {  	s22 =	sadd.s32 s10, s21;
	[tilespmem:s11+$0x0] =	vst.add.f32.msk $0xffff, v4  }
0x86: {  	v2 =	vld [tilespmem:s22+$0x70]  }
0x87: {  	v5 =	vld [tilespmem:s22+$0x0]  }
0x88: {  	s11 =	sor.u32 s20, s12;
	v6 =	vld [tilespmem:s22+$0x10]  }
0x89: {  	s11 =	sor.u32 s10, s11;
	v0 =	vld [tilespmem:s22+$0x20]  }
0x8a: {  	s12 =	sor.u32 $0x8000, s11;
	s23 =	sor.u32 $0x8010, s11;
	s19 =	sor.u32 $0x8070, s11;
	v1 =	vld [tilespmem:s22+$0x30]  }
0x8b: {  	s21 =	sor.u32 $0x8020, s11;
	s20 =	sor.u32 $0x8030, s11;
	s10 =	sor.u32 $0x8040, s11;
	[tilespmem:s19+$0x0] =	vst.add.f32.msk $0xffff, v2  }
.Ltmp2:
0x8c: {  	s19 =	sor.u32 $0x8050, s11;
	s11 =	sor.u32 $0x8060, s11;
	v3 =	vld [tilespmem:s22+$0x40];
	(pc) =	sbr.rel @p1 .LBB2_7-.Ltmp2, $4  }
0x8d: {  	v2 =	vld [tilespmem:s22+$0x50]  }
0x8e: {  	v4 =	vld [tilespmem:s22+$0x60]  }
0x8f: {  	[tilespmem:s12+$0x0] =	vst.add.f32.msk $0xffff, v5  }
0x90: {  	[tilespmem:s23+$0x0] =	vst.add.f32.msk $0xffff, v6  }
0x91: {  	[tilespmem:s21+$0x0] =	vst.add.f32.msk $0xffff, v0  }
0x92: {  	[tilespmem:s20+$0x0] =	vst.add.f32.msk $0xffff, v1  }
0x93: {  	[tilespmem:s10+$0x0] =	vst.add.f32.msk $0xffff, v3  }
0x94: {  	[tilespmem:s19+$0x0] =	vst.add.f32.msk $0xffff, v2  }
0x95: {  	s0 =	sadd.s32 s3, s26;
	[tilespmem:s11+$0x0] =	vst.add.f32.msk $0xffff, v4  }
0x96: {  	[hbm4b:s0+s4] =	stream.linear.scatter [tilespmem:s13], [sflag:$0x7], $0x4000, $0x38;
	[tilespmem:$0x18000] =	vst v63  }
0x97: {  	s0 =	simm.s32 @!p0 $0x6  }
0x98: {  	_ =	swait.ge @!p0 [sflag:s0], $0x4000  }
0x99: {  	s2 =	simm.s32 @!p0 $0x0;
	s10 =	simm.s32 @!p0 $0x4000;
	[sflag:s0] =	ssyncset.done @!p0 $0x0  }
0x9a: {  	s26 =	simm.s32 $0x0;
	[sflag:s0] =	ssyncadd.s32 @!p0 $0xFFFFC000;
	s0 =	sadd.s32 @!p0 s28, s8  }
0x9b: {  	[tilespmem:s10], [sflag:$0x2] =	stream.linear.gather @!p0 [hbm4b:s0+s2], $0x4000, $0x38;
	[tilespmem:$0x18000] =	vst v63  }
0x9c: {  	s23 =	sand.u32 $0x2000, s26;
	s0 =	simm.s32 $0x0  }
0x9d: {  	s30 =	sadd.s32 s23, s25;
	_ =	swait.ge [sflag:s18], $0x4000;
	s28 =	sand.u32 $0x1C00, s0  }
0x9e: {  	s12 =	sand.u32 $0x380, s0;
	[sflag:s18] =	ssyncset.done $0x0;
	s11 =	sadd.s32 s28, s30  }
0x9f: {  	[sflag:s18] =	ssyncadd.s32 $0xFFFFC000;
	s11 =	sadd.s32 s12, s11  }
0xa0: {  	v2 =	vld [tilespmem:s11+$0x70]  }
0xa1: {  	v5 =	vld [tilespmem:s11+$0x0]  }
0xa2: {  	v6 =	vld [tilespmem:s11+$0x10]  }
0xa3: {  	v0 =	vld [tilespmem:s11+$0x20]  }
0xa4: {  	s2 =	sor.u32 s28, s23;
	v1 =	vld [tilespmem:s11+$0x30]  }
0xa5: {  	s2 =	sor.u32 s12, s2;
	v3 =	vld [tilespmem:s11+$0x40]  }
0xa6: {  	s31 =	sor.u32 $0xC070, s2;
	v4 =	vld [tilespmem:s11+$0x60]  }
0xa7: {  	[tilespmem:s31+$0x0] =	vst.add.f32.msk $0xffff, v2  }
0xa8: {  	s12 =	sor.u32 $0xC000, s2;
	s22 =	sor.u32 $0xC010, s2;
	v2 =	vld [tilespmem:s11+$0x50]  }
0xa9: {  	s21 =	sor.u32 $0xC020, s2;
	s20 =	sor.u32 $0xC030, s2;
	s10 =	sor.u32 $0xC040, s2;
	[tilespmem:s12+$0x0] =	vst.add.f32.msk $0xffff, v5  }
0xaa: {  	s19 =	sor.u32 $0xC050, s2;
	s11 =	sor.u32 $0xC060, s2;
	[tilespmem:s22+$0x0] =	vst.add.f32.msk $0xffff, v6;
	s2 =	simm.s32 $0x0  }
.LBB2_9:
0xab: {  	s26 =	sadd.s32 $0x80, s26;
	[tilespmem:s21+$0x0] =	vst.add.f32.msk $0xffff, v0  }
0xac: {  	s0 =	sadd.s32 $0x400, s0;
	s12 =	sand.u32 $0x2000, s26;
	p0 =	slt.u32 s26, $0x3F80;
	[tilespmem:s20+$0x0] =	vst.add.f32.msk $0xffff, v1  }
0xad: {  	s2 =	sadd.s32 $0x10, s2;
	s20 =	sand.u32 $0x1C00, s0;
	s21 =	sadd.s32 s12, s25;
	[tilespmem:s10+$0x0] =	vst.add.f32.msk $0xffff, v3  }
0xae: {  	s10 =	sand.u32 $0x380, s2;
	s21 =	sadd.s32 s20, s21;
	[tilespmem:s19+$0x0] =	vst.add.f32.msk $0xffff, v2  }
0xaf: {  	s22 =	sadd.s32 s10, s21;
	[tilespmem:s11+$0x0] =	vst.add.f32.msk $0xffff, v4  }
0xb0: {  	v2 =	vld [tilespmem:s22+$0x70]  }
0xb1: {  	v5 =	vld [tilespmem:s22+$0x0]  }
0xb2: {  	s11 =	sor.u32 s20, s12;
	v6 =	vld [tilespmem:s22+$0x10]  }
0xb3: {  	s11 =	sor.u32 s10, s11;
	v0 =	vld [tilespmem:s22+$0x20]  }
0xb4: {  	s12 =	sor.u32 $0xC000, s11;
	s23 =	sor.u32 $0xC010, s11;
	s19 =	sor.u32 $0xC070, s11;
	v1 =	vld [tilespmem:s22+$0x30]  }
0xb5: {  	s21 =	sor.u32 $0xC020, s11;
	s20 =	sor.u32 $0xC030, s11;
	s10 =	sor.u32 $0xC040, s11;
	[tilespmem:s19+$0x0] =	vst.add.f32.msk $0xffff, v2  }
.Ltmp3:
0xb6: {  	s19 =	sor.u32 $0xC050, s11;
	s11 =	sor.u32 $0xC060, s11;
	v3 =	vld [tilespmem:s22+$0x40];
	(pc) =	sbr.rel @p0 .LBB2_9-.Ltmp3, $4  }
0xb7: {  	v2 =	vld [tilespmem:s22+$0x50]  }
0xb8: {  	v4 =	vld [tilespmem:s22+$0x60]  }
0xb9: {  	[tilespmem:s12+$0x0] =	vst.add.f32.msk $0xffff, v5  }
0xba: {  	[tilespmem:s23+$0x0] =	vst.add.f32.msk $0xffff, v6  }
0xbb: {  	[tilespmem:s21+$0x0] =	vst.add.f32.msk $0xffff, v0;
	p0 =	sne.s32 s24, $0x10  }
.Ltmp4:
0xbc: {  	[tilespmem:s20+$0x0] =	vst.add.f32.msk $0xffff, v1;
	(pc) =	sbr.rel @p0 .LBB2_2-.Ltmp4, $4  }
0xbd: {  	[tilespmem:s10+$0x0] =	vst.add.f32.msk $0xffff, v3  }
0xbe: {  	[tilespmem:s19+$0x0] =	vst.add.f32.msk $0xffff, v2  }
0xbf: {  	s0 =	sadd.s32 s3, s29;
	[tilespmem:s11+$0x0] =	vst.add.f32.msk $0xffff, v4  }
0xc0: {  	[hbm4b:s0+s4] =	stream.linear.scatter [tilespmem:s15], [sflag:$0x8], $0x4000, $0x38;
	[tilespmem:$0x18000] =	vst v63  }
0xc1: {  	s0 =	simm.s32 $0x5  }
0xc2: {  	_ =	swait.ge [sflag:s0], $0x4000  }
0xc3: {  	[sflag:s0] =	ssyncset.done $0x0  }
0xc4: {  	s29 =	simm.s32 $0x6;
	[sflag:s0] =	ssyncadd.s32 $0xFFFFC000  }
0xc5: {  	_ =	swait.ge [sflag:s29], $0x4000  }
0xc6: {  	[sflag:s29] =	ssyncset.done $0x0  }
0xc7: {  	s30 =	simm.s32 $0x7;
	[sflag:s29] =	ssyncadd.s32 $0xFFFFC000  }
0xc8: {  	_ =	swait.ge [sflag:s30], $0x4000  }
0xc9: {  	[sflag:s30] =	ssyncset.done $0x0  }
0xca: {  	s2 =	simm.s32 $0x8;
	[sflag:s30] =	ssyncadd.s32 $0xFFFFC000  }
0xcb: {  	_ =	swait.ge [sflag:s2], $0x4000  }
0xcc: {  	s10 =	rddreg [dreg:$0x5]  }
0xcd: {  	s31 =	rddreg [dreg:$0x4];
	s10 =	sadd.s32 $0x1, s10  }
0xce: {  	p0 =	sne.s32 s10, s31  }
.Ltmp5:
0xcf: {  	_ = 	snop;
	(pc) =	sbr.rel @p0 .LBB2_1-.Ltmp5, $3  }
0xd0: {  	_ =	sdelay $0x1  }
0xd1: {  	[sflag:s2] =	ssyncset.done $0x0  }
0xd2: {  	[sflag:s2] =	ssyncadd.s32 $0xFFFFC000  }
0xd3: {  	_ =	sfence.sel $0x180000  }
0xd4: {  	[bflag:$0x0] =	sbarrier.arrive $0xFFFF  }
0xd5: {  	_ =	strace $0x90000047  }
0xd6: {  	s0 =	stileid.u32;
	[bflag:$0x2] =	sbarrier.arrive $0xFFFF  }
0xd7: {  	p0 =	sne.s32 s0, $0x0;
	s0 =	rddreg [dreg:$0x3]  }
0xd8: {  	s0 =	sadd.s32 @!p0 $0x100000, s0  }
0xd9: {  	[sflag:s0] =	ssyncadd.tile.s32 @!p0 $0x1;
	_ =	shalt  }
.Lfunc_end2:
_tile_overlayer_lowered:
.L_overlay_start_2:
0xda: {  	(tag) =	ssettag $0x2  }
0xdb: {  	s0 =	rddreg [dreg:$0x0];
	s2 =	stileid.u32  }
0xdc: {  	s1 =	rddreg [dreg:$0x1];
	p0 =	sne.s32 s2, $0x0  }
0xdd: {  	s3 =	rddreg [dreg:$0x2];
	[bflag:$0x3] =	sbarrier.arrive $0xFFFF;
	s2 =	simm.s32 @!p0 $0x1C0B  }
0xde: {  	[timem:s3], [sflag:s2] =	dma.local @!p0 [hbm:s0], s1  }
0xdf: {  	s0 =	simm.s32 @!p0 $0xB  }
0xe0: {  	_ =	swait.ge @!p0 [sflag:s0], s1  }
0xe1: {  	s1 =	ssub.s32 @!p0 $0x0, s1;
	[sflag:s0] =	ssyncset.done @!p0 $0x0  }
0xe2: {  	[sflag:s0] =	ssyncadd.s32 @!p0 s1  }
0xe3: {  	[bflag:$0x3] =	sbarrier.arrive $0xFFFF  }
0xe4: {  	_ =	shalt  }

</sc_bundles>
